<compile_context>
chip_gen: v7x
topology: tpu7x:2x2x1
jax: 0.10.2.dev20260603
libtpu: 0.0.44.dev20260713+nightly
codegen_flags: <defaults>
</compile_context>

<pallas_src>
import jax
import jax.numpy as jnp
from jax import lax
from jax.experimental import pallas as pl
from jax.experimental.pallas import tpu as pltpu
from jax.experimental.pallas import tpu_sc as plsc

N = 10000
E = 320000
D = 128
NC = 2
NS = 16
NW = NC * NS
EPT = E // NW
K = 40
NCHUNK = EPT // K
S = 5
GLEAD = 3
RPT = N // NS


def _scale_kernel(emb_ref, c_ref, out_ref):
    y = emb_ref[...]
    c = c_ref[0, 0]
    rc = jnp.sqrt(c)
    n = jnp.sqrt(jnp.sum(y * y, axis=1, keepdims=True))
    n = jnp.clip(n, 1e-10)
    z = rc * n
    atanh = 0.5 * jnp.log((1.0 + z) / (1.0 - z))
    t = (2.0 / rc) * atanh / n * y
    out_ref[...] = t


def _seg_sum_kernel(taug, ei_h, zeros_h, zc_h, out, out_cnt,
                    rows, srcb, dst_all, cnt_t, acc_sh, semg, sems, semi):
    cid = lax.axis_index("c")
    sid = lax.axis_index("s")
    tid = cid * NS + sid

    pltpu.sync_copy(zeros_h, acc_sh.at[pl.ds(sid * RPT, RPT)])
    pltpu.sync_copy(ei_h.at[1, tid], dst_all)
    pltpu.sync_copy(zc_h, cnt_t)
    plsc.subcore_barrier()

    def fire_gather(c, b):
        pltpu.async_copy(taug.at[srcb[b]], rows[b], semg[b])

    def wait_gather(b):
        pltpu.make_async_copy(taug.at[srcb[b]], rows[b], semg[b]).wait()

    ones16 = jnp.ones((16,), jnp.float32)
    tailmask = lax.iota(jnp.int32, 16) >= 8

    def count_chunk(c):
        v0 = dst_all[c, pl.ds(0, 16)]
        plsc.addupdate_scatter(cnt_t, [v0], ones16)
        v1 = dst_all[c, pl.ds(16, 16)]
        plsc.addupdate_scatter(cnt_t, [v1], ones16)
        v2 = dst_all[c, pl.ds(24, 16)]
        plsc.addupdate_scatter(cnt_t, [v2], ones16, mask=tailmask)

    def fire_scatter(c, b):
        pltpu.async_copy(rows[b], acc_sh.at[dst_all.at[c]], sems[b], add=True)

    def wait_scatter(c, b):
        pltpu.make_async_copy(rows[b], acc_sh.at[dst_all.at[c]],
                              sems[b]).wait()

    def fire_idx(c, b):
        pltpu.async_copy(ei_h.at[0, tid, c], srcb[b], semi[b])

    def wait_idx(b):
        pltpu.make_async_copy(ei_h.at[0, tid, 0], srcb[b], semi[b]).wait()

    for b in range(S):
        pltpu.sync_copy(ei_h.at[0, tid, b], srcb[b])
    for b in range(GLEAD):
        fire_gather(b, b)

    def turn(c, b, *, sync_idx=False, no_idx=False, no_gather=False):
        count_chunk(c)
        if not no_gather:
            b2 = (b + GLEAD) % S
            if not sync_idx:
                wait_scatter(c - (S - GLEAD), b2)
                wait_idx(b2)
            fire_gather(c + GLEAD, b2)
        wait_gather(b)
        fire_scatter(c, b)
        if not no_idx:
            fire_idx(c + S, b)

    for b in range(S):
        turn(b, b, sync_idx=(b < S - GLEAD))

    def body(g, carry):
        for b in range(S):
            c = g * S + b
            turn(c, b)
        return carry

    lax.fori_loop(1, NCHUNK // S - 1, body, 0)

    for b in range(S):
        turn(NCHUNK - S + b, b, no_idx=True, no_gather=(b >= S - GLEAD))
    for b in range(S):
        wait_scatter(NCHUNK - S + b, b)

    pltpu.sync_copy(cnt_t, out_cnt.at[tid])
    plsc.subcore_barrier()
    pltpu.sync_copy(acc_sh.at[pl.ds(sid * RPT, RPT)],
                    out.at[cid, pl.ds(sid * RPT, RPT)])


def _finish_kernel(part_ref, cnt_ref, w_ref, c_ref, out_ref):
    p = part_ref[...]
    agg = p[0] + p[1]
    c = c_ref[0, 0]
    rc = jnp.sqrt(c)
    cnt = jnp.clip(jnp.sum(cnt_ref[...], axis=1, keepdims=True), 1.0)
    neigh = jnp.dot(agg, w_ref[...], preferred_element_type=jnp.float32) / cnt
    m = jnp.sqrt(jnp.sum(neigh * neigh, axis=1, keepdims=True))
    m = jnp.clip(m, 1e-10)
    out_ref[...] = jnp.tanh(rc * m * 0.5) * neigh / (rc * m)


def kernel(edge_index, node_embeddings, gc_weight, curvature):
    c2d = curvature.reshape(1, 1).astype(jnp.float32)
    ei = edge_index.astype(jnp.int32).reshape(2, NW, NCHUNK, K)

    rows_blk = 2000
    taug = pl.pallas_call(
        _scale_kernel,
        grid=(N // rows_blk,),
        in_specs=[
            pl.BlockSpec((rows_blk, D), lambda i: (i, 0)),
            pl.BlockSpec(memory_space=pltpu.SMEM),
        ],
        out_specs=pl.BlockSpec((rows_blk, D), lambda i: (i, 0)),
        out_shape=jax.ShapeDtypeStruct((N, D), jnp.float32),
    )(node_embeddings, c2d)

    zeros_h = jnp.zeros((RPT, D), dtype=jnp.float32)
    zc_h = jnp.zeros((N,), dtype=jnp.float32)

    mesh = plsc.VectorSubcoreMesh(core_axis_name="c", subcore_axis_name="s",
                                  num_cores=NC, num_subcores=NS)
    partials, counts = pl.kernel(
        _seg_sum_kernel,
        out_type=[jax.ShapeDtypeStruct((NC, N, D), jnp.float32),
                  jax.ShapeDtypeStruct((NW, N), jnp.float32)],
        mesh=mesh,
        scratch_types=[
            [pltpu.VMEM((K, D), jnp.float32) for _ in range(S)],
            [pltpu.VMEM((K,), jnp.int32) for _ in range(S)],
            pltpu.VMEM((NCHUNK, K), jnp.int32),
            pltpu.VMEM((N,), jnp.float32),
            pltpu.VMEM_SHARED((N, D), jnp.float32),
            [pltpu.SemaphoreType.DMA for _ in range(S)],
            [pltpu.SemaphoreType.DMA for _ in range(S)],
            [pltpu.SemaphoreType.DMA for _ in range(S)],
        ],
        compiler_params=pltpu.CompilerParams(use_tc_tiling_on_sc=False,
                                             needs_layout_passes=False),
    )(taug, ei, zeros_h, zc_h)

    out = pl.pallas_call(
        _finish_kernel,
        grid=(N // rows_blk,),
        in_specs=[
            pl.BlockSpec((NC, rows_blk, D), lambda i: (0, i, 0)),
            pl.BlockSpec((rows_blk, NW), lambda i: (i, 0)),
            pl.BlockSpec((D, D), lambda i: (0, 0)),
            pl.BlockSpec(memory_space=pltpu.SMEM),
        ],
        out_specs=pl.BlockSpec((rows_blk, D), lambda i: (i, 0)),
        out_shape=jax.ShapeDtypeStruct((N, D), jnp.float32),
    )(partials, counts.T, gc_weight, c2d)

    return out

# --- scband reference (transcript-rebuilt; emitter-appended) ---
"""Pipeline reference for scband-hgwave-net-57011395887442 (READ-ONLY COPY).

The authoritative reference and input builder live on the scoring server;
editing this copy changes nothing except your own understanding.
"""

import jax, jax.numpy as jnp
import numpy as np

N = 10000
E = 320000
D = 128


def mobius_addition(x, y, c):
    xy_dot = jnp.sum(x * y, axis=-1, keepdims=True)
    x_norm_sq = jnp.sum(x ** 2, axis=-1, keepdims=True)
    y_norm_sq = jnp.sum(y ** 2, axis=-1, keepdims=True)
    numerator = (1 + 2 * c * xy_dot + c * y_norm_sq) * x + (1 - c * x_norm_sq) * y
    denominator = 1 + 2 * c * xy_dot + c ** 2 * x_norm_sq * y_norm_sq
    return numerator / denominator


def log_map(x, y, c):
    y_minus_x = mobius_addition(-x, y, c)
    n = jnp.linalg.norm(y_minus_x, axis=-1, keepdims=True)
    n = jnp.clip(n, 1e-10)
    return 2 / jnp.sqrt(c) * jnp.arctanh(jnp.sqrt(c) * n) * y_minus_x / n


def exp_map(x, v, c):
    v_norm = jnp.linalg.norm(v, axis=-1, keepdims=True)
    v_norm = jnp.clip(v_norm, 1e-10)
    second_term = jnp.tanh(jnp.sqrt(c) * v_norm / 2) * v / (jnp.sqrt(c) * v_norm)
    return mobius_addition(x, second_term, c)


def setup_inputs(seed: int = 0) -> dict:
    key = jax.random.key(seed)
    k1, k2, k3 = jax.random.split(key, 3)
    edge_index = jax.random.randint(k1, (2, E), 0, N)
    # node embeddings scaled so that norms stay inside the Poincare ball (atanh domain)
    node_embeddings = jax.random.normal(k2, (N, D), dtype=jnp.float32) * 0.005
    gc_weight = jax.random.normal(k3, (D, D), dtype=jnp.float32)
    curvature = jnp.array([1.0], dtype=jnp.float32)
    return {"edge_index": edge_index, "node_embeddings": node_embeddings,
            "gc_weight": gc_weight, "curvature": curvature}


def reference(edge_index, node_embeddings, gc_weight, curvature):
    c = curvature
    num_nodes = node_embeddings.shape[0]
    origin = jnp.zeros((1, node_embeddings.shape[1]), dtype=node_embeddings.dtype)
    # log map all node embeddings to tangent space at origin
    tangent_emb = log_map(origin, node_embeddings, c)
    h = jnp.matmul(tangent_emb, gc_weight)
    # graph.update_all(copy_u('h','m'), mean('m','neigh')): mean of src features per dst node
    src = edge_index[0]
    dst = edge_index[1]
    msgs = jnp.take(h, src, axis=0)
    sums = jax.ops.segment_sum(msgs, dst, num_segments=num_nodes)
    cnt = jax.ops.segment_sum(jnp.ones((msgs.shape[0],), dtype=h.dtype), dst, num_segments=num_nodes)
    neigh = sums / jnp.clip(cnt, 1.0)[:, None]
    # history_embeddings is empty on the first forward call, so updated_emb = current_emb
    current_emb = exp_map(origin, neigh, c)
    return current_emb

if __name__ == "__main__":
    import jax
    _d = setup_inputs()
    print(jax.jit(kernel)(*tuple(_d.values())))

</pallas_src>

<mosaic_0001>
#map = affine_map<(d0, d1) -> (0, 0)>
#map1 = affine_map<(d0, d1) -> (0, 0, 0, 0)>
#map2 = affine_map<(d0, d1) -> (0)>
#map3 = affine_map<(d0, d1) -> (0, 0, 0)>
module attributes {stable_mosaic.version = 14 : i64} {
  func.func @_seg_sum_kernel(%arg0: i32, %arg1: i32, %arg2: memref<10000x128xf32, #tpu.memory_space<hbm>>, %arg3: memref<2x32x250x40xi32, #tpu.memory_space<hbm>>, %arg4: memref<625x128xf32, #tpu.memory_space<hbm>>, %arg5: memref<10000xf32, #tpu.memory_space<hbm>>, %arg6: memref<2x10000x128xf32, #tpu.memory_space<hbm>>, %arg7: memref<32x10000xf32, #tpu.memory_space<hbm>>, %arg8: memref<40x128xf32, #tpu.memory_space<vmem>>, %arg9: memref<40x128xf32, #tpu.memory_space<vmem>>, %arg10: memref<40x128xf32, #tpu.memory_space<vmem>>, %arg11: memref<40x128xf32, #tpu.memory_space<vmem>>, %arg12: memref<40x128xf32, #tpu.memory_space<vmem>>, %arg13: memref<40xi32, #tpu.memory_space<vmem>>, %arg14: memref<40xi32, #tpu.memory_space<vmem>>, %arg15: memref<40xi32, #tpu.memory_space<vmem>>, %arg16: memref<40xi32, #tpu.memory_space<vmem>>, %arg17: memref<40xi32, #tpu.memory_space<vmem>>, %arg18: memref<250x40xi32, #tpu.memory_space<vmem>>, %arg19: memref<10000xf32, #tpu.memory_space<vmem>>, %arg20: memref<10000x128xf32, #tpu.memory_space<vmem_shared>>, %arg21: memref<!tpu.dma_semaphore, #tpu.memory_space<semaphore_mem>>, %arg22: memref<!tpu.dma_semaphore, #tpu.memory_space<semaphore_mem>>, %arg23: memref<!tpu.dma_semaphore, #tpu.memory_space<semaphore_mem>>, %arg24: memref<!tpu.dma_semaphore, #tpu.memory_space<semaphore_mem>>, %arg25: memref<!tpu.dma_semaphore, #tpu.memory_space<semaphore_mem>>, %arg26: memref<!tpu.dma_semaphore, #tpu.memory_space<semaphore_mem>>, %arg27: memref<!tpu.dma_semaphore, #tpu.memory_space<semaphore_mem>>, %arg28: memref<!tpu.dma_semaphore, #tpu.memory_space<semaphore_mem>>, %arg29: memref<!tpu.dma_semaphore, #tpu.memory_space<semaphore_mem>>, %arg30: memref<!tpu.dma_semaphore, #tpu.memory_space<semaphore_mem>>, %arg31: memref<!tpu.dma_semaphore, #tpu.memory_space<semaphore_mem>>, %arg32: memref<!tpu.dma_semaphore, #tpu.memory_space<semaphore_mem>>, %arg33: memref<!tpu.dma_semaphore, #tpu.memory_space<semaphore_mem>>, %arg34: memref<!tpu.dma_semaphore, #tpu.memory_space<semaphore_mem>>, %arg35: memref<!tpu.dma_semaphore, #tpu.memory_space<semaphore_mem>>) attributes {dimension_semantics = [#tpu.dimension_semantics<core_parallel>, #tpu.dimension_semantics<subcore_parallel>], iteration_bounds = array<i64: 2, 16>, scalar_prefetch = 0 : i64, scratch_operands = 28 : i64, tpu.core_type = #tpu.core_type<sc_vector_subcore>, window_params = [{transform_indices = #map}, {transform_indices = #map1}, {transform_indices = #map}, {transform_indices = #map2}, {transform_indices = #map3}, {transform_indices = #map}]} {
    %mul3A = arith.constant 16 : i32
    %mul3A_0 = arith.muli %arg0, %mul3A : i32
    %add3A = arith.addi %mul3A_0, %arg1 : i32
    %mul3A_1 = arith.constant 625 : i32
    %mul3A_2 = arith.muli %arg1, %mul3A_1 : i32
    "tpu.region"() ({
      %run_scoped3A_423 = tpu.sem_alloc : memref<!tpu.dma_semaphore, #tpu.memory_space<semaphore_mem>>
      %dma_start3A_424 = arith.constant 0 : i32
      %dma_start3A_425 = tpu.memref_slice %arg20[%mul3A_2, %dma_start3A_424] : memref<10000x128xf32, #tpu.memory_space<vmem_shared>> -> memref<625x128xf32, #tpu.memory_space<vmem_shared>>
      tpu.enqueue_dma source(%arg4 : memref<625x128xf32, #tpu.memory_space<hbm>>) target(%dma_start3A_425 : memref<625x128xf32, #tpu.memory_space<vmem_shared>>) target_semaphore(%run_scoped3A_423 : memref<!tpu.dma_semaphore, #tpu.memory_space<semaphore_mem>>)
      %dma_wait3A_426 = arith.constant 0 : i32
      %dma_wait3A_427 = tpu.memref_slice %arg20[%mul3A_2, %dma_wait3A_426] : memref<10000x128xf32, #tpu.memory_space<vmem_shared>> -> memref<625x128xf32, #tpu.memory_space<vmem_shared>>
      tpu.wait_dma2 semaphore(%run_scoped3A_423 : memref<!tpu.dma_semaphore, #tpu.memory_space<semaphore_mem>>) src(%arg4 : memref<625x128xf32, #tpu.memory_space<hbm>>) dst(%dma_wait3A_427 : memref<625x128xf32, #tpu.memory_space<vmem_shared>>)
      tpu.yield
    }) : () -> ()
    %run_scoped3A = arith.constant 1 : i32
    "tpu.region"() ({
      %run_scoped3A_423 = tpu.sem_alloc : memref<!tpu.dma_semaphore, #tpu.memory_space<semaphore_mem>>
      %dma_start3A_424 = arith.constant 0 : i32
      %dma_start3A_425 = arith.constant 0 : i32
      %dma_start3A_426 = tpu.memref_slice %arg3[%run_scoped3A, %add3A, %dma_start3A_424, %dma_start3A_425] : memref<2x32x250x40xi32, #tpu.memory_space<hbm>> -> memref<1x1x250x40xi32, #tpu.memory_space<hbm>>
      %dma_start3A_427 = tpu.memref_squeeze %dma_start3A_426 : memref<1x1x250x40xi32, #tpu.memory_space<hbm>> -> memref<250x40xi32, #tpu.memory_space<hbm>>
      %dma_start3A_428 = arith.constant 0 : i32
      %dma_start3A_429 = arith.constant 0 : i32
      %dma_start3A_430 = tpu.memref_slice %arg3[%run_scoped3A, %add3A, %dma_start3A_428, %dma_start3A_429] : memref<2x32x250x40xi32, #tpu.memory_space<hbm>> -> memref<1x1x250x40xi32, #tpu.memory_space<hbm>>
      %dma_start3A_431 = tpu.memref_squeeze %dma_start3A_430 : memref<1x1x250x40xi32, #tpu.memory_space<hbm>> -> memref<250x40xi32, #tpu.memory_space<hbm>>
      tpu.enqueue_dma source(%dma_start3A_431 : memref<250x40xi32, #tpu.memory_space<hbm>>) target(%arg18 : memref<250x40xi32, #tpu.memory_space<vmem>>) target_semaphore(%run_scoped3A_423 : memref<!tpu.dma_semaphore, #tpu.memory_space<semaphore_mem>>)
      %dma_wait3A_432 = arith.constant 0 : i32
      %dma_wait3A_433 = arith.constant 0 : i32
      %dma_wait3A_434 = tpu.memref_slice %arg3[%run_scoped3A, %add3A, %dma_wait3A_432, %dma_wait3A_433] : memref<2x32x250x40xi32, #tpu.memory_space<hbm>> -> memref<1x1x250x40xi32, #tpu.memory_space<hbm>>
      %dma_wait3A_435 = tpu.memref_squeeze %dma_wait3A_434 : memref<1x1x250x40xi32, #tpu.memory_space<hbm>> -> memref<250x40xi32, #tpu.memory_space<hbm>>
      %dma_wait3A_436 = arith.constant 0 : i32
      %dma_wait3A_437 = arith.constant 0 : i32
      %dma_wait3A_438 = tpu.memref_slice %arg3[%run_scoped3A, %add3A, %dma_wait3A_436, %dma_wait3A_437] : memref<2x32x250x40xi32, #tpu.memory_space<hbm>> -> memref<1x1x250x40xi32, #tpu.memory_space<hbm>>
      %dma_wait3A_439 = tpu.memref_squeeze %dma_wait3A_438 : memref<1x1x250x40xi32, #tpu.memory_space<hbm>> -> memref<250x40xi32, #tpu.memory_space<hbm>>
      tpu.wait_dma2 semaphore(%run_scoped3A_423 : memref<!tpu.dma_semaphore, #tpu.memory_space<semaphore_mem>>) src(%dma_wait3A_439 : memref<250x40xi32, #tpu.memory_space<hbm>>) dst(%arg18 : memref<250x40xi32, #tpu.memory_space<vmem>>)
      tpu.yield
    }) : () -> ()
    "tpu.region"() ({
      %run_scoped3A_423 = tpu.sem_alloc : memref<!tpu.dma_semaphore, #tpu.memory_space<semaphore_mem>>
      tpu.enqueue_dma source(%arg5 : memref<10000xf32, #tpu.memory_space<hbm>>) target(%arg19 : memref<10000xf32, #tpu.memory_space<vmem>>) target_semaphore(%run_scoped3A_423 : memref<!tpu.dma_semaphore, #tpu.memory_space<semaphore_mem>>)
      tpu.wait_dma2 semaphore(%run_scoped3A_423 : memref<!tpu.dma_semaphore, #tpu.memory_space<semaphore_mem>>) src(%arg5 : memref<10000xf32, #tpu.memory_space<hbm>>) dst(%arg19 : memref<10000xf32, #tpu.memory_space<vmem>>)
      tpu.yield
    }) : () -> ()
    %barrier3A = arith.constant 0 : index
    tpu.barrier barrier_id(%barrier3A)
    %broadcast_in_dim3A = arith.constant 1.000000e+00 : f32
    %broadcast_in_dim3A_3 = vector.broadcast %broadcast_in_dim3A : f32 to vector<16xf32>
    %iota3A = tpu.iota {dimensions = array<i32: 0>} : vector<16xi32>
    %ge3A = arith.constant 8 : i32
    %ge3A_4 = vector.broadcast %ge3A : i32 to vector<16xi32>
    %ge3A_5 = arith.cmpi sge, %iota3A, %ge3A_4 : vector<16xi32>
    %run_scoped3A_6 = arith.constant 0 : i32
    %run_scoped3A_7 = arith.constant 0 : i32
    "tpu.region"() ({
      %run_scoped3A_423 = tpu.sem_alloc : memref<!tpu.dma_semaphore, #tpu.memory_space<semaphore_mem>>
      %dma_start3A_424 = arith.constant 0 : i32
      %dma_start3A_425 = tpu.memref_slice %arg3[%run_scoped3A_6, %add3A, %run_scoped3A_7, %dma_start3A_424] : memref<2x32x250x40xi32, #tpu.memory_space<hbm>> -> memref<1x1x1x40xi32, #tpu.memory_space<hbm>>
      %dma_start3A_426 = tpu.memref_squeeze %dma_start3A_425 : memref<1x1x1x40xi32, #tpu.memory_space<hbm>> -> memref<40xi32, #tpu.memory_space<hbm>>
      %dma_start3A_427 = arith.constant 0 : i32
      %dma_start3A_428 = tpu.memref_slice %arg3[%run_scoped3A_6, %add3A, %run_scoped3A_7, %dma_start3A_427] : memref<2x32x250x40xi32, #tpu.memory_space<hbm>> -> memref<1x1x1x40xi32, #tpu.memory_space<hbm>>
      %dma_start3A_429 = tpu.memref_squeeze %dma_start3A_428 : memref<1x1x1x40xi32, #tpu.memory_space<hbm>> -> memref<40xi32, #tpu.memory_space<hbm>>
      tpu.enqueue_dma source(%dma_start3A_429 : memref<40xi32, #tpu.memory_space<hbm>>) target(%arg13 : memref<40xi32, #tpu.memory_space<vmem>>) target_semaphore(%run_scoped3A_423 : memref<!tpu.dma_semaphore, #tpu.memory_space<semaphore_mem>>)
      %dma_wait3A_430 = arith.constant 0 : i32
      %dma_wait3A_431 = tpu.memref_slice %arg3[%run_scoped3A_6, %add3A, %run_scoped3A_7, %dma_wait3A_430] : memref<2x32x250x40xi32, #tpu.memory_space<hbm>> -> memref<1x1x1x40xi32, #tpu.memory_space<hbm>>
      %dma_wait3A_432 = tpu.memref_squeeze %dma_wait3A_431 : memref<1x1x1x40xi32, #tpu.memory_space<hbm>> -> memref<40xi32, #tpu.memory_space<hbm>>
      %dma_wait3A_433 = arith.constant 0 : i32
      %dma_wait3A_434 = tpu.memref_slice %arg3[%run_scoped3A_6, %add3A, %run_scoped3A_7, %dma_wait3A_433] : memref<2x32x250x40xi32, #tpu.memory_space<hbm>> -> memref<1x1x1x40xi32, #tpu.memory_space<hbm>>
      %dma_wait3A_435 = tpu.memref_squeeze %dma_wait3A_434 : memref<1x1x1x40xi32, #tpu.memory_space<hbm>> -> memref<40xi32, #tpu.memory_space<hbm>>
      tpu.wait_dma2 semaphore(%run_scoped3A_423 : memref<!tpu.dma_semaphore, #tpu.memory_space<semaphore_mem>>) src(%dma_wait3A_435 : memref<40xi32, #tpu.memory_space<hbm>>) dst(%arg13 : memref<40xi32, #tpu.memory_space<vmem>>)
      tpu.yield
    }) : () -> ()
    %run_scoped3A_8 = arith.constant 0 : i32
    %run_scoped3A_9 = arith.constant 1 : i32
    "tpu.region"() ({
      %run_scoped3A_423 = tpu.sem_alloc : memref<!tpu.dma_semaphore, #tpu.memory_space<semaphore_mem>>
      %dma_start3A_424 = arith.constant 0 : i32
      %dma_start3A_425 = tpu.memref_slice %arg3[%run_scoped3A_8, %add3A, %run_scoped3A_9, %dma_start3A_424] : memref<2x32x250x40xi32, #tpu.memory_space<hbm>> -> memref<1x1x1x40xi32, #tpu.memory_space<hbm>>
      %dma_start3A_426 = tpu.memref_squeeze %dma_start3A_425 : memref<1x1x1x40xi32, #tpu.memory_space<hbm>> -> memref<40xi32, #tpu.memory_space<hbm>>
      %dma_start3A_427 = arith.constant 0 : i32
      %dma_start3A_428 = tpu.memref_slice %arg3[%run_scoped3A_8, %add3A, %run_scoped3A_9, %dma_start3A_427] : memref<2x32x250x40xi32, #tpu.memory_space<hbm>> -> memref<1x1x1x40xi32, #tpu.memory_space<hbm>>
      %dma_start3A_429 = tpu.memref_squeeze %dma_start3A_428 : memref<1x1x1x40xi32, #tpu.memory_space<hbm>> -> memref<40xi32, #tpu.memory_space<hbm>>
      tpu.enqueue_dma source(%dma_start3A_429 : memref<40xi32, #tpu.memory_space<hbm>>) target(%arg14 : memref<40xi32, #tpu.memory_space<vmem>>) target_semaphore(%run_scoped3A_423 : memref<!tpu.dma_semaphore, #tpu.memory_space<semaphore_mem>>)
      %dma_wait3A_430 = arith.constant 0 : i32
      %dma_wait3A_431 = tpu.memref_slice %arg3[%run_scoped3A_8, %add3A, %run_scoped3A_9, %dma_wait3A_430] : memref<2x32x250x40xi32, #tpu.memory_space<hbm>> -> memref<1x1x1x40xi32, #tpu.memory_space<hbm>>
      %dma_wait3A_432 = tpu.memref_squeeze %dma_wait3A_431 : memref<1x1x1x40xi32, #tpu.memory_space<hbm>> -> memref<40xi32, #tpu.memory_space<hbm>>
      %dma_wait3A_433 = arith.constant 0 : i32
      %dma_wait3A_434 = tpu.memref_slice %arg3[%run_scoped3A_8, %add3A, %run_scoped3A_9, %dma_wait3A_433] : memref<2x32x250x40xi32, #tpu.memory_space<hbm>> -> memref<1x1x1x40xi32, #tpu.memory_space<hbm>>
      %dma_wait3A_435 = tpu.memref_squeeze %dma_wait3A_434 : memref<1x1x1x40xi32, #tpu.memory_space<hbm>> -> memref<40xi32, #tpu.memory_space<hbm>>
      tpu.wait_dma2 semaphore(%run_scoped3A_423 : memref<!tpu.dma_semaphore, #tpu.memory_space<semaphore_mem>>) src(%dma_wait3A_435 : memref<40xi32, #tpu.memory_space<hbm>>) dst(%arg14 : memref<40xi32, #tpu.memory_space<vmem>>)
      tpu.yield
    }) : () -> ()
    %run_scoped3A_10 = arith.constant 0 : i32
    %run_scoped3A_11 = arith.constant 2 : i32
    "tpu.region"() ({
      %run_scoped3A_423 = tpu.sem_alloc : memref<!tpu.dma_semaphore, #tpu.memory_space<semaphore_mem>>
      %dma_start3A_424 = arith.constant 0 : i32
      %dma_start3A_425 = tpu.memref_slice %arg3[%run_scoped3A_10, %add3A, %run_scoped3A_11, %dma_start3A_424] : memref<2x32x250x40xi32, #tpu.memory_space<hbm>> -> memref<1x1x1x40xi32, #tpu.memory_space<hbm>>
      %dma_start3A_426 = tpu.memref_squeeze %dma_start3A_425 : memref<1x1x1x40xi32, #tpu.memory_space<hbm>> -> memref<40xi32, #tpu.memory_space<hbm>>
      %dma_start3A_427 = arith.constant 0 : i32
      %dma_start3A_428 = tpu.memref_slice %arg3[%run_scoped3A_10, %add3A, %run_scoped3A_11, %dma_start3A_427] : memref<2x32x250x40xi32, #tpu.memory_space<hbm>> -> memref<1x1x1x40xi32, #tpu.memory_space<hbm>>
      %dma_start3A_429 = tpu.memref_squeeze %dma_start3A_428 : memref<1x1x1x40xi32, #tpu.memory_space<hbm>> -> memref<40xi32, #tpu.memory_space<hbm>>
      tpu.enqueue_dma source(%dma_start3A_429 : memref<40xi32, #tpu.memory_space<hbm>>) target(%arg15 : memref<40xi32, #tpu.memory_space<vmem>>) target_semaphore(%run_scoped3A_423 : memref<!tpu.dma_semaphore, #tpu.memory_space<semaphore_mem>>)
      %dma_wait3A_430 = arith.constant 0 : i32
      %dma_wait3A_431 = tpu.memref_slice %arg3[%run_scoped3A_10, %add3A, %run_scoped3A_11, %dma_wait3A_430] : memref<2x32x250x40xi32, #tpu.memory_space<hbm>> -> memref<1x1x1x40xi32, #tpu.memory_space<hbm>>
      %dma_wait3A_432 = tpu.memref_squeeze %dma_wait3A_431 : memref<1x1x1x40xi32, #tpu.memory_space<hbm>> -> memref<40xi32, #tpu.memory_space<hbm>>
      %dma_wait3A_433 = arith.constant 0 : i32
      %dma_wait3A_434 = tpu.memref_slice %arg3[%run_scoped3A_10, %add3A, %run_scoped3A_11, %dma_wait3A_433] : memref<2x32x250x40xi32, #tpu.memory_space<hbm>> -> memref<1x1x1x40xi32, #tpu.memory_space<hbm>>
      %dma_wait3A_435 = tpu.memref_squeeze %dma_wait3A_434 : memref<1x1x1x40xi32, #tpu.memory_space<hbm>> -> memref<40xi32, #tpu.memory_space<hbm>>
      tpu.wait_dma2 semaphore(%run_scoped3A_423 : memref<!tpu.dma_semaphore, #tpu.memory_space<semaphore_mem>>) src(%dma_wait3A_435 : memref<40xi32, #tpu.memory_space<hbm>>) dst(%arg15 : memref<40xi32, #tpu.memory_space<vmem>>)
      tpu.yield
    }) : () -> ()
    %run_scoped3A_12 = arith.constant 0 : i32
    %run_scoped3A_13 = arith.constant 3 : i32
    "tpu.region"() ({
      %run_scoped3A_423 = tpu.sem_alloc : memref<!tpu.dma_semaphore, #tpu.memory_space<semaphore_mem>>
      %dma_start3A_424 = arith.constant 0 : i32
      %dma_start3A_425 = tpu.memref_slice %arg3[%run_scoped3A_12, %add3A, %run_scoped3A_13, %dma_start3A_424] : memref<2x32x250x40xi32, #tpu.memory_space<hbm>> -> memref<1x1x1x40xi32, #tpu.memory_space<hbm>>
      %dma_start3A_426 = tpu.memref_squeeze %dma_start3A_425 : memref<1x1x1x40xi32, #tpu.memory_space<hbm>> -> memref<40xi32, #tpu.memory_space<hbm>>
      %dma_start3A_427 = arith.constant 0 : i32
      %dma_start3A_428 = tpu.memref_slice %arg3[%run_scoped3A_12, %add3A, %run_scoped3A_13, %dma_start3A_427] : memref<2x32x250x40xi32, #tpu.memory_space<hbm>> -> memref<1x1x1x40xi32, #tpu.memory_space<hbm>>
      %dma_start3A_429 = tpu.memref_squeeze %dma_start3A_428 : memref<1x1x1x40xi32, #tpu.memory_space<hbm>> -> memref<40xi32, #tpu.memory_space<hbm>>
      tpu.enqueue_dma source(%dma_start3A_429 : memref<40xi32, #tpu.memory_space<hbm>>) target(%arg16 : memref<40xi32, #tpu.memory_space<vmem>>) target_semaphore(%run_scoped3A_423 : memref<!tpu.dma_semaphore, #tpu.memory_space<semaphore_mem>>)
      %dma_wait3A_430 = arith.constant 0 : i32
      %dma_wait3A_431 = tpu.memref_slice %arg3[%run_scoped3A_12, %add3A, %run_scoped3A_13, %dma_wait3A_430] : memref<2x32x250x40xi32, #tpu.memory_space<hbm>> -> memref<1x1x1x40xi32, #tpu.memory_space<hbm>>
      %dma_wait3A_432 = tpu.memref_squeeze %dma_wait3A_431 : memref<1x1x1x40xi32, #tpu.memory_space<hbm>> -> memref<40xi32, #tpu.memory_space<hbm>>
      %dma_wait3A_433 = arith.constant 0 : i32
      %dma_wait3A_434 = tpu.memref_slice %arg3[%run_scoped3A_12, %add3A, %run_scoped3A_13, %dma_wait3A_433] : memref<2x32x250x40xi32, #tpu.memory_space<hbm>> -> memref<1x1x1x40xi32, #tpu.memory_space<hbm>>
      %dma_wait3A_435 = tpu.memref_squeeze %dma_wait3A_434 : memref<1x1x1x40xi32, #tpu.memory_space<hbm>> -> memref<40xi32, #tpu.memory_space<hbm>>
      tpu.wait_dma2 semaphore(%run_scoped3A_423 : memref<!tpu.dma_semaphore, #tpu.memory_space<semaphore_mem>>) src(%dma_wait3A_435 : memref<40xi32, #tpu.memory_space<hbm>>) dst(%arg16 : memref<40xi32, #tpu.memory_space<vmem>>)
      tpu.yield
    }) : () -> ()
    %run_scoped3A_14 = arith.constant 0 : i32
    %run_scoped3A_15 = arith.constant 4 : i32
    "tpu.region"() ({
      %run_scoped3A_423 = tpu.sem_alloc : memref<!tpu.dma_semaphore, #tpu.memory_space<semaphore_mem>>
      %dma_start3A_424 = arith.constant 0 : i32
      %dma_start3A_425 = tpu.memref_slice %arg3[%run_scoped3A_14, %add3A, %run_scoped3A_15, %dma_start3A_424] : memref<2x32x250x40xi32, #tpu.memory_space<hbm>> -> memref<1x1x1x40xi32, #tpu.memory_space<hbm>>
      %dma_start3A_426 = tpu.memref_squeeze %dma_start3A_425 : memref<1x1x1x40xi32, #tpu.memory_space<hbm>> -> memref<40xi32, #tpu.memory_space<hbm>>
      %dma_start3A_427 = arith.constant 0 : i32
      %dma_start3A_428 = tpu.memref_slice %arg3[%run_scoped3A_14, %add3A, %run_scoped3A_15, %dma_start3A_427] : memref<2x32x250x40xi32, #tpu.memory_space<hbm>> -> memref<1x1x1x40xi32, #tpu.memory_space<hbm>>
      %dma_start3A_429 = tpu.memref_squeeze %dma_start3A_428 : memref<1x1x1x40xi32, #tpu.memory_space<hbm>> -> memref<40xi32, #tpu.memory_space<hbm>>
      tpu.enqueue_dma source(%dma_start3A_429 : memref<40xi32, #tpu.memory_space<hbm>>) target(%arg17 : memref<40xi32, #tpu.memory_space<vmem>>) target_semaphore(%run_scoped3A_423 : memref<!tpu.dma_semaphore, #tpu.memory_space<semaphore_mem>>)
      %dma_wait3A_430 = arith.constant 0 : i32
      %dma_wait3A_431 = tpu.memref_slice %arg3[%run_scoped3A_14, %add3A, %run_scoped3A_15, %dma_wait3A_430] : memref<2x32x250x40xi32, #tpu.memory_space<hbm>> -> memref<1x1x1x40xi32, #tpu.memory_space<hbm>>
      %dma_wait3A_432 = tpu.memref_squeeze %dma_wait3A_431 : memref<1x1x1x40xi32, #tpu.memory_space<hbm>> -> memref<40xi32, #tpu.memory_space<hbm>>
      %dma_wait3A_433 = arith.constant 0 : i32
      %dma_wait3A_434 = tpu.memref_slice %arg3[%run_scoped3A_14, %add3A, %run_scoped3A_15, %dma_wait3A_433] : memref<2x32x250x40xi32, #tpu.memory_space<hbm>> -> memref<1x1x1x40xi32, #tpu.memory_space<hbm>>
      %dma_wait3A_435 = tpu.memref_squeeze %dma_wait3A_434 : memref<1x1x1x40xi32, #tpu.memory_space<hbm>> -> memref<40xi32, #tpu.memory_space<hbm>>
      tpu.wait_dma2 semaphore(%run_scoped3A_423 : memref<!tpu.dma_semaphore, #tpu.memory_space<semaphore_mem>>) src(%dma_wait3A_435 : memref<40xi32, #tpu.memory_space<hbm>>) dst(%arg17 : memref<40xi32, #tpu.memory_space<vmem>>)
      tpu.yield
    }) : () -> ()
    %dma_start3A = arith.constant 0 : i32
    %dma_start3A_16 = arith.constant 0 : i32
    %dma_start3A_17 = tpu.memref_slice %arg2[%dma_start3A, %dma_start3A_16] : memref<10000x128xf32, #tpu.memory_space<hbm>> -> memref<10000x128xf32, #tpu.memory_space<hbm>>
    tpu.enqueue_indirect_dma source(%dma_start3A_17 : memref<10000x128xf32, #tpu.memory_space<hbm>>) target(%arg8 : memref<40x128xf32, #tpu.memory_space<vmem>>) offsets(%arg13 : memref<40xi32, #tpu.memory_space<vmem>>) semaphore(%arg21 : memref<!tpu.dma_semaphore, #tpu.memory_space<semaphore_mem>>)
    %dma_start3A_18 = arith.constant 0 : i32
    %dma_start3A_19 = arith.constant 0 : i32
    %dma_start3A_20 = tpu.memref_slice %arg2[%dma_start3A_18, %dma_start3A_19] : memref<10000x128xf32, #tpu.memory_space<hbm>> -> memref<10000x128xf32, #tpu.memory_space<hbm>>
    tpu.enqueue_indirect_dma source(%dma_start3A_20 : memref<10000x128xf32, #tpu.memory_space<hbm>>) target(%arg9 : memref<40x128xf32, #tpu.memory_space<vmem>>) offsets(%arg14 : memref<40xi32, #tpu.memory_space<vmem>>) semaphore(%arg22 : memref<!tpu.dma_semaphore, #tpu.memory_space<semaphore_mem>>)
    %dma_start3A_21 = arith.constant 0 : i32
    %dma_start3A_22 = arith.constant 0 : i32
    %dma_start3A_23 = tpu.memref_slice %arg2[%dma_start3A_21, %dma_start3A_22] : memref<10000x128xf32, #tpu.memory_space<hbm>> -> memref<10000x128xf32, #tpu.memory_space<hbm>>
    tpu.enqueue_indirect_dma source(%dma_start3A_23 : memref<10000x128xf32, #tpu.memory_space<hbm>>) target(%arg10 : memref<40x128xf32, #tpu.memory_space<vmem>>) offsets(%arg15 : memref<40xi32, #tpu.memory_space<vmem>>) semaphore(%arg23 : memref<!tpu.dma_semaphore, #tpu.memory_space<semaphore_mem>>)
    %get3A = arith.constant 0 : i32
    %get3A_24 = arith.index_cast %get3A : i32 to index
    %get3A_25 = arith.constant 0 : index
    %get3A_26 = tpu.vector_load %arg18[%get3A_24, %get3A_25] {strides = array<i32>} : memref<250x40xi32, #tpu.memory_space<vmem>>, vector<16xi32>,
    tpu.vector_store_idx %arg19[%get3A_26], %broadcast_in_dim3A_3 {add = true} : memref<10000xf32, #tpu.memory_space<vmem>>[vector<16xi32>], vector<16xf32>,
    %get3A_27 = arith.constant 0 : i32
    %get3A_28 = arith.index_cast %get3A_27 : i32 to index
    %get3A_29 = arith.constant 16 : index
    %get3A_30 = tpu.vector_load %arg18[%get3A_28, %get3A_29] {strides = array<i32>} : memref<250x40xi32, #tpu.memory_space<vmem>>, vector<16xi32>,
    tpu.vector_store_idx %arg19[%get3A_30], %broadcast_in_dim3A_3 {add = true} : memref<10000xf32, #tpu.memory_space<vmem>>[vector<16xi32>], vector<16xf32>,
    %get3A_31 = arith.constant 0 : i32
    %get3A_32 = arith.index_cast %get3A_31 : i32 to index
    %get3A_33 = arith.constant 24 : index
    %get3A_34 = tpu.vector_load %arg18[%get3A_32, %get3A_33] {strides = array<i32>} : memref<250x40xi32, #tpu.memory_space<vmem>>, vector<16xi32>,
    tpu.vector_store_idx %arg19[%get3A_34], %broadcast_in_dim3A_3 masked %ge3A_5 {add = true} : memref<10000xf32, #tpu.memory_space<vmem>>[vector<16xi32>], vector<16xf32>, vector<16xi1>
    %dma_start3A_35 = arith.constant 0 : i32
    %dma_start3A_36 = arith.constant 0 : i32
    %dma_start3A_37 = tpu.memref_slice %arg2[%dma_start3A_35, %dma_start3A_36] : memref<10000x128xf32, #tpu.memory_space<hbm>> -> memref<10000x128xf32, #tpu.memory_space<hbm>>
    tpu.enqueue_indirect_dma source(%dma_start3A_37 : memref<10000x128xf32, #tpu.memory_space<hbm>>) target(%arg11 : memref<40x128xf32, #tpu.memory_space<vmem>>) offsets(%arg16 : memref<40xi32, #tpu.memory_space<vmem>>) semaphore(%arg24 : memref<!tpu.dma_semaphore, #tpu.memory_space<semaphore_mem>>)
    %dma_wait3A = arith.constant 0 : i32
    %dma_wait3A_38 = arith.constant 0 : i32
    %dma_wait3A_39 = tpu.memref_slice %arg2[%dma_wait3A, %dma_wait3A_38] : memref<10000x128xf32, #tpu.memory_space<hbm>> -> memref<10000x128xf32, #tpu.memory_space<hbm>>
    tpu.wait_indirect_dma semaphore(%arg21 : memref<!tpu.dma_semaphore, #tpu.memory_space<semaphore_mem>>) src(%dma_wait3A_39 : memref<10000x128xf32, #tpu.memory_space<hbm>>) dst(%arg8 : memref<40x128xf32, #tpu.memory_space<vmem>>)
    %dma_start3A_40 = arith.constant 0 : i32
    %dma_start3A_41 = arith.constant 0 : i32
    %dma_start3A_42 = tpu.memref_slice %arg18[%dma_start3A_40, %dma_start3A_41] : memref<250x40xi32, #tpu.memory_space<vmem>> -> memref<1x40xi32, #tpu.memory_space<vmem>>
    %dma_start3A_43 = tpu.memref_squeeze %dma_start3A_42 : memref<1x40xi32, #tpu.memory_space<vmem>> -> memref<40xi32, #tpu.memory_space<vmem>>
    %dma_start3A_44 = arith.constant 0 : i32
    %dma_start3A_45 = arith.constant 0 : i32
    %dma_start3A_46 = tpu.memref_slice %arg20[%dma_start3A_44, %dma_start3A_45] : memref<10000x128xf32, #tpu.memory_space<vmem_shared>> -> memref<10000x128xf32, #tpu.memory_space<vmem_shared>>
    tpu.enqueue_indirect_dma source(%arg8 : memref<40x128xf32, #tpu.memory_space<vmem>>) target(%dma_start3A_46 : memref<10000x128xf32, #tpu.memory_space<vmem_shared>>) offsets(%dma_start3A_43 : memref<40xi32, #tpu.memory_space<vmem>>) semaphore(%arg26 : memref<!tpu.dma_semaphore, #tpu.memory_space<semaphore_mem>>) {add = true}
    %dma_start3A_47 = arith.constant 0 : i32
    %dma_start3A_48 = arith.constant 5 : i32
    %dma_start3A_49 = arith.constant 0 : i32
    %dma_start3A_50 = tpu.memref_slice %arg3[%dma_start3A_47, %add3A, %dma_start3A_48, %dma_start3A_49] : memref<2x32x250x40xi32, #tpu.memory_space<hbm>> -> memref<1x1x1x40xi32, #tpu.memory_space<hbm>>
    %dma_start3A_51 = tpu.memref_squeeze %dma_start3A_50 : memref<1x1x1x40xi32, #tpu.memory_space<hbm>> -> memref<40xi32, #tpu.memory_space<hbm>>
    %dma_start3A_52 = arith.constant 0 : i32
    %dma_start3A_53 = tpu.memref_slice %arg3[%dma_start3A_47, %add3A, %dma_start3A_48, %dma_start3A_52] : memref<2x32x250x40xi32, #tpu.memory_space<hbm>> -> memref<1x1x1x40xi32, #tpu.memory_space<hbm>>
    %dma_start3A_54 = tpu.memref_squeeze %dma_start3A_53 : memref<1x1x1x40xi32, #tpu.memory_space<hbm>> -> memref<40xi32, #tpu.memory_space<hbm>>
    tpu.enqueue_dma source(%dma_start3A_54 : memref<40xi32, #tpu.memory_space<hbm>>) target(%arg13 : memref<40xi32, #tpu.memory_space<vmem>>) target_semaphore(%arg31 : memref<!tpu.dma_semaphore, #tpu.memory_space<semaphore_mem>>)
    %get3A_55 = arith.constant 1 : i32
    %get3A_56 = arith.index_cast %get3A_55 : i32 to index
    %get3A_57 = arith.constant 0 : index
    %get3A_58 = tpu.vector_load %arg18[%get3A_56, %get3A_57] {strides = array<i32>} : memref<250x40xi32, #tpu.memory_space<vmem>>, vector<16xi32>,
    tpu.vector_store_idx %arg19[%get3A_58], %broadcast_in_dim3A_3 {add = true} : memref<10000xf32, #tpu.memory_space<vmem>>[vector<16xi32>], vector<16xf32>,
    %get3A_59 = arith.constant 1 : i32
    %get3A_60 = arith.index_cast %get3A_59 : i32 to index
    %get3A_61 = arith.constant 16 : index
    %get3A_62 = tpu.vector_load %arg18[%get3A_60, %get3A_61] {strides = array<i32>} : memref<250x40xi32, #tpu.memory_space<vmem>>, vector<16xi32>,
    tpu.vector_store_idx %arg19[%get3A_62], %broadcast_in_dim3A_3 {add = true} : memref<10000xf32, #tpu.memory_space<vmem>>[vector<16xi32>], vector<16xf32>,
    %get3A_63 = arith.constant 1 : i32
    %get3A_64 = arith.index_cast %get3A_63 : i32 to index
    %get3A_65 = arith.constant 24 : index
    %get3A_66 = tpu.vector_load %arg18[%get3A_64, %get3A_65] {strides = array<i32>} : memref<250x40xi32, #tpu.memory_space<vmem>>, vector<16xi32>,
    tpu.vector_store_idx %arg19[%get3A_66], %broadcast_in_dim3A_3 masked %ge3A_5 {add = true} : memref<10000xf32, #tpu.memory_space<vmem>>[vector<16xi32>], vector<16xf32>, vector<16xi1>
    %dma_start3A_67 = arith.constant 0 : i32
    %dma_start3A_68 = arith.constant 0 : i32
    %dma_start3A_69 = tpu.memref_slice %arg2[%dma_start3A_67, %dma_start3A_68] : memref<10000x128xf32, #tpu.memory_space<hbm>> -> memref<10000x128xf32, #tpu.memory_space<hbm>>
    tpu.enqueue_indirect_dma source(%dma_start3A_69 : memref<10000x128xf32, #tpu.memory_space<hbm>>) target(%arg12 : memref<40x128xf32, #tpu.memory_space<vmem>>) offsets(%arg17 : memref<40xi32, #tpu.memory_space<vmem>>) semaphore(%arg25 : memref<!tpu.dma_semaphore, #tpu.memory_space<semaphore_mem>>)
    %dma_wait3A_70 = arith.constant 0 : i32
    %dma_wait3A_71 = arith.constant 0 : i32
    %dma_wait3A_72 = tpu.memref_slice %arg2[%dma_wait3A_70, %dma_wait3A_71] : memref<10000x128xf32, #tpu.memory_space<hbm>> -> memref<10000x128xf32, #tpu.memory_space<hbm>>
    tpu.wait_indirect_dma semaphore(%arg22 : memref<!tpu.dma_semaphore, #tpu.memory_space<semaphore_mem>>) src(%dma_wait3A_72 : memref<10000x128xf32, #tpu.memory_space<hbm>>) dst(%arg9 : memref<40x128xf32, #tpu.memory_space<vmem>>)
    %dma_start3A_73 = arith.constant 1 : i32
    %dma_start3A_74 = arith.constant 0 : i32
    %dma_start3A_75 = tpu.memref_slice %arg18[%dma_start3A_73, %dma_start3A_74] : memref<250x40xi32, #tpu.memory_space<vmem>> -> memref<1x40xi32, #tpu.memory_space<vmem>>
    %dma_start3A_76 = tpu.memref_squeeze %dma_start3A_75 : memref<1x40xi32, #tpu.memory_space<vmem>> -> memref<40xi32, #tpu.memory_space<vmem>>
    %dma_start3A_77 = arith.constant 0 : i32
    %dma_start3A_78 = arith.constant 0 : i32
    %dma_start3A_79 = tpu.memref_slice %arg20[%dma_start3A_77, %dma_start3A_78] : memref<10000x128xf32, #tpu.memory_space<vmem_shared>> -> memref<10000x128xf32, #tpu.memory_space<vmem_shared>>
    tpu.enqueue_indirect_dma source(%arg9 : memref<40x128xf32, #tpu.memory_space<vmem>>) target(%dma_start3A_79 : memref<10000x128xf32, #tpu.memory_space<vmem_shared>>) offsets(%dma_start3A_76 : memref<40xi32, #tpu.memory_space<vmem>>) semaphore(%arg27 : memref<!tpu.dma_semaphore, #tpu.memory_space<semaphore_mem>>) {add = true}
    %dma_start3A_80 = arith.constant 0 : i32
    %dma_start3A_81 = arith.constant 6 : i32
    %dma_start3A_82 = arith.constant 0 : i32
    %dma_start3A_83 = tpu.memref_slice %arg3[%dma_start3A_80, %add3A, %dma_start3A_81, %dma_start3A_82] : memref<2x32x250x40xi32, #tpu.memory_space<hbm>> -> memref<1x1x1x40xi32, #tpu.memory_space<hbm>>
    %dma_start3A_84 = tpu.memref_squeeze %dma_start3A_83 : memref<1x1x1x40xi32, #tpu.memory_space<hbm>> -> memref<40xi32, #tpu.memory_space<hbm>>
    %dma_start3A_85 = arith.constant 0 : i32
    %dma_start3A_86 = tpu.memref_slice %arg3[%dma_start3A_80, %add3A, %dma_start3A_81, %dma_start3A_85] : memref<2x32x250x40xi32, #tpu.memory_space<hbm>> -> memref<1x1x1x40xi32, #tpu.memory_space<hbm>>
    %dma_start3A_87 = tpu.memref_squeeze %dma_start3A_86 : memref<1x1x1x40xi32, #tpu.memory_space<hbm>> -> memref<40xi32, #tpu.memory_space<hbm>>
    tpu.enqueue_dma source(%dma_start3A_87 : memref<40xi32, #tpu.memory_space<hbm>>) target(%arg14 : memref<40xi32, #tpu.memory_space<vmem>>) target_semaphore(%arg32 : memref<!tpu.dma_semaphore, #tpu.memory_space<semaphore_mem>>)
    %get3A_88 = arith.constant 2 : i32
    %get3A_89 = arith.index_cast %get3A_88 : i32 to index
    %get3A_90 = arith.constant 0 : index
    %get3A_91 = tpu.vector_load %arg18[%get3A_89, %get3A_90] {strides = array<i32>} : memref<250x40xi32, #tpu.memory_space<vmem>>, vector<16xi32>,
    tpu.vector_store_idx %arg19[%get3A_91], %broadcast_in_dim3A_3 {add = true} : memref<10000xf32, #tpu.memory_space<vmem>>[vector<16xi32>], vector<16xf32>,
    %get3A_92 = arith.constant 2 : i32
    %get3A_93 = arith.index_cast %get3A_92 : i32 to index
    %get3A_94 = arith.constant 16 : index
    %get3A_95 = tpu.vector_load %arg18[%get3A_93, %get3A_94] {strides = array<i32>} : memref<250x40xi32, #tpu.memory_space<vmem>>, vector<16xi32>,
    tpu.vector_store_idx %arg19[%get3A_95], %broadcast_in_dim3A_3 {add = true} : memref<10000xf32, #tpu.memory_space<vmem>>[vector<16xi32>], vector<16xf32>,
    %get3A_96 = arith.constant 2 : i32
    %get3A_97 = arith.index_cast %get3A_96 : i32 to index
    %get3A_98 = arith.constant 24 : index
    %get3A_99 = tpu.vector_load %arg18[%get3A_97, %get3A_98] {strides = array<i32>} : memref<250x40xi32, #tpu.memory_space<vmem>>, vector<16xi32>,
    tpu.vector_store_idx %arg19[%get3A_99], %broadcast_in_dim3A_3 masked %ge3A_5 {add = true} : memref<10000xf32, #tpu.memory_space<vmem>>[vector<16xi32>], vector<16xf32>, vector<16xi1>
    %dma_wait3A_100 = arith.constant 0 : i32
    %dma_wait3A_101 = arith.constant 0 : i32
    %dma_wait3A_102 = tpu.memref_slice %arg18[%dma_wait3A_100, %dma_wait3A_101] : memref<250x40xi32, #tpu.memory_space<vmem>> -> memref<1x40xi32, #tpu.memory_space<vmem>>
    %dma_wait3A_103 = tpu.memref_squeeze %dma_wait3A_102 : memref<1x40xi32, #tpu.memory_space<vmem>> -> memref<40xi32, #tpu.memory_space<vmem>>
    %dma_wait3A_104 = arith.constant 0 : i32
    %dma_wait3A_105 = arith.constant 0 : i32
    %dma_wait3A_106 = tpu.memref_slice %arg20[%dma_wait3A_104, %dma_wait3A_105] : memref<10000x128xf32, #tpu.memory_space<vmem_shared>> -> memref<10000x128xf32, #tpu.memory_space<vmem_shared>>
    tpu.wait_indirect_dma semaphore(%arg26 : memref<!tpu.dma_semaphore, #tpu.memory_space<semaphore_mem>>) src(%arg8 : memref<40x128xf32, #tpu.memory_space<vmem>>) dst(%dma_wait3A_106 : memref<10000x128xf32, #tpu.memory_space<vmem_shared>>)
    %dma_wait3A_107 = arith.constant 0 : i32
    %dma_wait3A_108 = arith.constant 0 : i32
    %dma_wait3A_109 = arith.constant 0 : i32
    %dma_wait3A_110 = tpu.memref_slice %arg3[%dma_wait3A_107, %add3A, %dma_wait3A_108, %dma_wait3A_109] : memref<2x32x250x40xi32, #tpu.memory_space<hbm>> -> memref<1x1x1x40xi32, #tpu.memory_space<hbm>>
    %dma_wait3A_111 = tpu.memref_squeeze %dma_wait3A_110 : memref<1x1x1x40xi32, #tpu.memory_space<hbm>> -> memref<40xi32, #tpu.memory_space<hbm>>
    %dma_wait3A_112 = arith.constant 0 : i32
    %dma_wait3A_113 = tpu.memref_slice %arg3[%dma_wait3A_107, %add3A, %dma_wait3A_108, %dma_wait3A_112] : memref<2x32x250x40xi32, #tpu.memory_space<hbm>> -> memref<1x1x1x40xi32, #tpu.memory_space<hbm>>
    %dma_wait3A_114 = tpu.memref_squeeze %dma_wait3A_113 : memref<1x1x1x40xi32, #tpu.memory_space<hbm>> -> memref<40xi32, #tpu.memory_space<hbm>>
    tpu.wait_dma2 semaphore(%arg31 : memref<!tpu.dma_semaphore, #tpu.memory_space<semaphore_mem>>) src(%dma_wait3A_114 : memref<40xi32, #tpu.memory_space<hbm>>) dst(%arg13 : memref<40xi32, #tpu.memory_space<vmem>>)
    %dma_start3A_115 = arith.constant 0 : i32
    %dma_start3A_116 = arith.constant 0 : i32
    %dma_start3A_117 = tpu.memref_slice %arg2[%dma_start3A_115, %dma_start3A_116] : memref<10000x128xf32, #tpu.memory_space<hbm>> -> memref<10000x128xf32, #tpu.memory_space<hbm>>
    tpu.enqueue_indirect_dma source(%dma_start3A_117 : memref<10000x128xf32, #tpu.memory_space<hbm>>) target(%arg8 : memref<40x128xf32, #tpu.memory_space<vmem>>) offsets(%arg13 : memref<40xi32, #tpu.memory_space<vmem>>) semaphore(%arg21 : memref<!tpu.dma_semaphore, #tpu.memory_space<semaphore_mem>>)
    %dma_wait3A_118 = arith.constant 0 : i32
    %dma_wait3A_119 = arith.constant 0 : i32
    %dma_wait3A_120 = tpu.memref_slice %arg2[%dma_wait3A_118, %dma_wait3A_119] : memref<10000x128xf32, #tpu.memory_space<hbm>> -> memref<10000x128xf32, #tpu.memory_space<hbm>>
    tpu.wait_indirect_dma semaphore(%arg23 : memref<!tpu.dma_semaphore, #tpu.memory_space<semaphore_mem>>) src(%dma_wait3A_120 : memref<10000x128xf32, #tpu.memory_space<hbm>>) dst(%arg10 : memref<40x128xf32, #tpu.memory_space<vmem>>)
    %dma_start3A_121 = arith.constant 2 : i32
    %dma_start3A_122 = arith.constant 0 : i32
    %dma_start3A_123 = tpu.memref_slice %arg18[%dma_start3A_121, %dma_start3A_122] : memref<250x40xi32, #tpu.memory_space<vmem>> -> memref<1x40xi32, #tpu.memory_space<vmem>>
    %dma_start3A_124 = tpu.memref_squeeze %dma_start3A_123 : memref<1x40xi32, #tpu.memory_space<vmem>> -> memref<40xi32, #tpu.memory_space<vmem>>
    %dma_start3A_125 = arith.constant 0 : i32
    %dma_start3A_126 = arith.constant 0 : i32
    %dma_start3A_127 = tpu.memref_slice %arg20[%dma_start3A_125, %dma_start3A_126] : memref<10000x128xf32, #tpu.memory_space<vmem_shared>> -> memref<10000x128xf32, #tpu.memory_space<vmem_shared>>
    tpu.enqueue_indirect_dma source(%arg10 : memref<40x128xf32, #tpu.memory_space<vmem>>) target(%dma_start3A_127 : memref<10000x128xf32, #tpu.memory_space<vmem_shared>>) offsets(%dma_start3A_124 : memref<40xi32, #tpu.memory_space<vmem>>) semaphore(%arg28 : memref<!tpu.dma_semaphore, #tpu.memory_space<semaphore_mem>>) {add = true}
    %dma_start3A_128 = arith.constant 0 : i32
    %dma_start3A_129 = arith.constant 7 : i32
    %dma_start3A_130 = arith.constant 0 : i32
    %dma_start3A_131 = tpu.memref_slice %arg3[%dma_start3A_128, %add3A, %dma_start3A_129, %dma_start3A_130] : memref<2x32x250x40xi32, #tpu.memory_space<hbm>> -> memref<1x1x1x40xi32, #tpu.memory_space<hbm>>
    %dma_start3A_132 = tpu.memref_squeeze %dma_start3A_131 : memref<1x1x1x40xi32, #tpu.memory_space<hbm>> -> memref<40xi32, #tpu.memory_space<hbm>>
    %dma_start3A_133 = arith.constant 0 : i32
    %dma_start3A_134 = tpu.memref_slice %arg3[%dma_start3A_128, %add3A, %dma_start3A_129, %dma_start3A_133] : memref<2x32x250x40xi32, #tpu.memory_space<hbm>> -> memref<1x1x1x40xi32, #tpu.memory_space<hbm>>
    %dma_start3A_135 = tpu.memref_squeeze %dma_start3A_134 : memref<1x1x1x40xi32, #tpu.memory_space<hbm>> -> memref<40xi32, #tpu.memory_space<hbm>>
    tpu.enqueue_dma source(%dma_start3A_135 : memref<40xi32, #tpu.memory_space<hbm>>) target(%arg15 : memref<40xi32, #tpu.memory_space<vmem>>) target_semaphore(%arg33 : memref<!tpu.dma_semaphore, #tpu.memory_space<semaphore_mem>>)
    %get3A_136 = arith.constant 3 : i32
    %get3A_137 = arith.index_cast %get3A_136 : i32 to index
    %get3A_138 = arith.constant 0 : index
    %get3A_139 = tpu.vector_load %arg18[%get3A_137, %get3A_138] {strides = array<i32>} : memref<250x40xi32, #tpu.memory_space<vmem>>, vector<16xi32>,
    tpu.vector_store_idx %arg19[%get3A_139], %broadcast_in_dim3A_3 {add = true} : memref<10000xf32, #tpu.memory_space<vmem>>[vector<16xi32>], vector<16xf32>,
    %get3A_140 = arith.constant 3 : i32
    %get3A_141 = arith.index_cast %get3A_140 : i32 to index
    %get3A_142 = arith.constant 16 : index
    %get3A_143 = tpu.vector_load %arg18[%get3A_141, %get3A_142] {strides = array<i32>} : memref<250x40xi32, #tpu.memory_space<vmem>>, vector<16xi32>,
    tpu.vector_store_idx %arg19[%get3A_143], %broadcast_in_dim3A_3 {add = true} : memref<10000xf32, #tpu.memory_space<vmem>>[vector<16xi32>], vector<16xf32>,
    %get3A_144 = arith.constant 3 : i32
    %get3A_145 = arith.index_cast %get3A_144 : i32 to index
    %get3A_146 = arith.constant 24 : index
    %get3A_147 = tpu.vector_load %arg18[%get3A_145, %get3A_146] {strides = array<i32>} : memref<250x40xi32, #tpu.memory_space<vmem>>, vector<16xi32>,
    tpu.vector_store_idx %arg19[%get3A_147], %broadcast_in_dim3A_3 masked %ge3A_5 {add = true} : memref<10000xf32, #tpu.memory_space<vmem>>[vector<16xi32>], vector<16xf32>, vector<16xi1>
    %dma_wait3A_148 = arith.constant 1 : i32
    %dma_wait3A_149 = arith.constant 0 : i32
    %dma_wait3A_150 = tpu.memref_slice %arg18[%dma_wait3A_148, %dma_wait3A_149] : memref<250x40xi32, #tpu.memory_space<vmem>> -> memref<1x40xi32, #tpu.memory_space<vmem>>
    %dma_wait3A_151 = tpu.memref_squeeze %dma_wait3A_150 : memref<1x40xi32, #tpu.memory_space<vmem>> -> memref<40xi32, #tpu.memory_space<vmem>>
    %dma_wait3A_152 = arith.constant 0 : i32
    %dma_wait3A_153 = arith.constant 0 : i32
    %dma_wait3A_154 = tpu.memref_slice %arg20[%dma_wait3A_152, %dma_wait3A_153] : memref<10000x128xf32, #tpu.memory_space<vmem_shared>> -> memref<10000x128xf32, #tpu.memory_space<vmem_shared>>
    tpu.wait_indirect_dma semaphore(%arg27 : memref<!tpu.dma_semaphore, #tpu.memory_space<semaphore_mem>>) src(%arg9 : memref<40x128xf32, #tpu.memory_space<vmem>>) dst(%dma_wait3A_154 : memref<10000x128xf32, #tpu.memory_space<vmem_shared>>)
    %dma_wait3A_155 = arith.constant 0 : i32
    %dma_wait3A_156 = arith.constant 0 : i32
    %dma_wait3A_157 = arith.constant 0 : i32
    %dma_wait3A_158 = tpu.memref_slice %arg3[%dma_wait3A_155, %add3A, %dma_wait3A_156, %dma_wait3A_157] : memref<2x32x250x40xi32, #tpu.memory_space<hbm>> -> memref<1x1x1x40xi32, #tpu.memory_space<hbm>>
    %dma_wait3A_159 = tpu.memref_squeeze %dma_wait3A_158 : memref<1x1x1x40xi32, #tpu.memory_space<hbm>> -> memref<40xi32, #tpu.memory_space<hbm>>
    %dma_wait3A_160 = arith.constant 0 : i32
    %dma_wait3A_161 = tpu.memref_slice %arg3[%dma_wait3A_155, %add3A, %dma_wait3A_156, %dma_wait3A_160] : memref<2x32x250x40xi32, #tpu.memory_space<hbm>> -> memref<1x1x1x40xi32, #tpu.memory_space<hbm>>
    %dma_wait3A_162 = tpu.memref_squeeze %dma_wait3A_161 : memref<1x1x1x40xi32, #tpu.memory_space<hbm>> -> memref<40xi32, #tpu.memory_space<hbm>>
    tpu.wait_dma2 semaphore(%arg32 : memref<!tpu.dma_semaphore, #tpu.memory_space<semaphore_mem>>) src(%dma_wait3A_162 : memref<40xi32, #tpu.memory_space<hbm>>) dst(%arg14 : memref<40xi32, #tpu.memory_space<vmem>>)
    %dma_start3A_163 = arith.constant 0 : i32
    %dma_start3A_164 = arith.constant 0 : i32
    %dma_start3A_165 = tpu.memref_slice %arg2[%dma_start3A_163, %dma_start3A_164] : memref<10000x128xf32, #tpu.memory_space<hbm>> -> memref<10000x128xf32, #tpu.memory_space<hbm>>
    tpu.enqueue_indirect_dma source(%dma_start3A_165 : memref<10000x128xf32, #tpu.memory_space<hbm>>) target(%arg9 : memref<40x128xf32, #tpu.memory_space<vmem>>) offsets(%arg14 : memref<40xi32, #tpu.memory_space<vmem>>) semaphore(%arg22 : memref<!tpu.dma_semaphore, #tpu.memory_space<semaphore_mem>>)
    %dma_wait3A_166 = arith.constant 0 : i32
    %dma_wait3A_167 = arith.constant 0 : i32
    %dma_wait3A_168 = tpu.memref_slice %arg2[%dma_wait3A_166, %dma_wait3A_167] : memref<10000x128xf32, #tpu.memory_space<hbm>> -> memref<10000x128xf32, #tpu.memory_space<hbm>>
    tpu.wait_indirect_dma semaphore(%arg24 : memref<!tpu.dma_semaphore, #tpu.memory_space<semaphore_mem>>) src(%dma_wait3A_168 : memref<10000x128xf32, #tpu.memory_space<hbm>>) dst(%arg11 : memref<40x128xf32, #tpu.memory_space<vmem>>)
    %dma_start3A_169 = arith.constant 3 : i32
    %dma_start3A_170 = arith.constant 0 : i32
    %dma_start3A_171 = tpu.memref_slice %arg18[%dma_start3A_169, %dma_start3A_170] : memref<250x40xi32, #tpu.memory_space<vmem>> -> memref<1x40xi32, #tpu.memory_space<vmem>>
    %dma_start3A_172 = tpu.memref_squeeze %dma_start3A_171 : memref<1x40xi32, #tpu.memory_space<vmem>> -> memref<40xi32, #tpu.memory_space<vmem>>
    %dma_start3A_173 = arith.constant 0 : i32
    %dma_start3A_174 = arith.constant 0 : i32
    %dma_start3A_175 = tpu.memref_slice %arg20[%dma_start3A_173, %dma_start3A_174] : memref<10000x128xf32, #tpu.memory_space<vmem_shared>> -> memref<10000x128xf32, #tpu.memory_space<vmem_shared>>
    tpu.enqueue_indirect_dma source(%arg11 : memref<40x128xf32, #tpu.memory_space<vmem>>) target(%dma_start3A_175 : memref<10000x128xf32, #tpu.memory_space<vmem_shared>>) offsets(%dma_start3A_172 : memref<40xi32, #tpu.memory_space<vmem>>) semaphore(%arg29 : memref<!tpu.dma_semaphore, #tpu.memory_space<semaphore_mem>>) {add = true}
    %dma_start3A_176 = arith.constant 0 : i32
    %dma_start3A_177 = arith.constant 8 : i32
    %dma_start3A_178 = arith.constant 0 : i32
    %dma_start3A_179 = tpu.memref_slice %arg3[%dma_start3A_176, %add3A, %dma_start3A_177, %dma_start3A_178] : memref<2x32x250x40xi32, #tpu.memory_space<hbm>> -> memref<1x1x1x40xi32, #tpu.memory_space<hbm>>
    %dma_start3A_180 = tpu.memref_squeeze %dma_start3A_179 : memref<1x1x1x40xi32, #tpu.memory_space<hbm>> -> memref<40xi32, #tpu.memory_space<hbm>>
    %dma_start3A_181 = arith.constant 0 : i32
    %dma_start3A_182 = tpu.memref_slice %arg3[%dma_start3A_176, %add3A, %dma_start3A_177, %dma_start3A_181] : memref<2x32x250x40xi32, #tpu.memory_space<hbm>> -> memref<1x1x1x40xi32, #tpu.memory_space<hbm>>
    %dma_start3A_183 = tpu.memref_squeeze %dma_start3A_182 : memref<1x1x1x40xi32, #tpu.memory_space<hbm>> -> memref<40xi32, #tpu.memory_space<hbm>>
    tpu.enqueue_dma source(%dma_start3A_183 : memref<40xi32, #tpu.memory_space<hbm>>) target(%arg16 : memref<40xi32, #tpu.memory_space<vmem>>) target_semaphore(%arg34 : memref<!tpu.dma_semaphore, #tpu.memory_space<semaphore_mem>>)
    %get3A_184 = arith.constant 4 : i32
    %get3A_185 = arith.index_cast %get3A_184 : i32 to index
    %get3A_186 = arith.constant 0 : index
    %get3A_187 = tpu.vector_load %arg18[%get3A_185, %get3A_186] {strides = array<i32>} : memref<250x40xi32, #tpu.memory_space<vmem>>, vector<16xi32>,
    tpu.vector_store_idx %arg19[%get3A_187], %broadcast_in_dim3A_3 {add = true} : memref<10000xf32, #tpu.memory_space<vmem>>[vector<16xi32>], vector<16xf32>,
    %get3A_188 = arith.constant 4 : i32
    %get3A_189 = arith.index_cast %get3A_188 : i32 to index
    %get3A_190 = arith.constant 16 : index
    %get3A_191 = tpu.vector_load %arg18[%get3A_189, %get3A_190] {strides = array<i32>} : memref<250x40xi32, #tpu.memory_space<vmem>>, vector<16xi32>,
    tpu.vector_store_idx %arg19[%get3A_191], %broadcast_in_dim3A_3 {add = true} : memref<10000xf32, #tpu.memory_space<vmem>>[vector<16xi32>], vector<16xf32>,
    %get3A_192 = arith.constant 4 : i32
    %get3A_193 = arith.index_cast %get3A_192 : i32 to index
    %get3A_194 = arith.constant 24 : index
    %get3A_195 = tpu.vector_load %arg18[%get3A_193, %get3A_194] {strides = array<i32>} : memref<250x40xi32, #tpu.memory_space<vmem>>, vector<16xi32>,
    tpu.vector_store_idx %arg19[%get3A_195], %broadcast_in_dim3A_3 masked %ge3A_5 {add = true} : memref<10000xf32, #tpu.memory_space<vmem>>[vector<16xi32>], vector<16xf32>, vector<16xi1>
    %dma_wait3A_196 = arith.constant 2 : i32
    %dma_wait3A_197 = arith.constant 0 : i32
    %dma_wait3A_198 = tpu.memref_slice %arg18[%dma_wait3A_196, %dma_wait3A_197] : memref<250x40xi32, #tpu.memory_space<vmem>> -> memref<1x40xi32, #tpu.memory_space<vmem>>
    %dma_wait3A_199 = tpu.memref_squeeze %dma_wait3A_198 : memref<1x40xi32, #tpu.memory_space<vmem>> -> memref<40xi32, #tpu.memory_space<vmem>>
    %dma_wait3A_200 = arith.constant 0 : i32
    %dma_wait3A_201 = arith.constant 0 : i32
    %dma_wait3A_202 = tpu.memref_slice %arg20[%dma_wait3A_200, %dma_wait3A_201] : memref<10000x128xf32, #tpu.memory_space<vmem_shared>> -> memref<10000x128xf32, #tpu.memory_space<vmem_shared>>
    tpu.wait_indirect_dma semaphore(%arg28 : memref<!tpu.dma_semaphore, #tpu.memory_space<semaphore_mem>>) src(%arg10 : memref<40x128xf32, #tpu.memory_space<vmem>>) dst(%dma_wait3A_202 : memref<10000x128xf32, #tpu.memory_space<vmem_shared>>)
    %dma_wait3A_203 = arith.constant 0 : i32
    %dma_wait3A_204 = arith.constant 0 : i32
    %dma_wait3A_205 = arith.constant 0 : i32
    %dma_wait3A_206 = tpu.memref_slice %arg3[%dma_wait3A_203, %add3A, %dma_wait3A_204, %dma_wait3A_205] : memref<2x32x250x40xi32, #tpu.memory_space<hbm>> -> memref<1x1x1x40xi32, #tpu.memory_space<hbm>>
    %dma_wait3A_207 = tpu.memref_squeeze %dma_wait3A_206 : memref<1x1x1x40xi32, #tpu.memory_space<hbm>> -> memref<40xi32, #tpu.memory_space<hbm>>
    %dma_wait3A_208 = arith.constant 0 : i32
    %dma_wait3A_209 = tpu.memref_slice %arg3[%dma_wait3A_203, %add3A, %dma_wait3A_204, %dma_wait3A_208] : memref<2x32x250x40xi32, #tpu.memory_space<hbm>> -> memref<1x1x1x40xi32, #tpu.memory_space<hbm>>
    %dma_wait3A_210 = tpu.memref_squeeze %dma_wait3A_209 : memref<1x1x1x40xi32, #tpu.memory_space<hbm>> -> memref<40xi32, #tpu.memory_space<hbm>>
    tpu.wait_dma2 semaphore(%arg33 : memref<!tpu.dma_semaphore, #tpu.memory_space<semaphore_mem>>) src(%dma_wait3A_210 : memref<40xi32, #tpu.memory_space<hbm>>) dst(%arg15 : memref<40xi32, #tpu.memory_space<vmem>>)
    %dma_start3A_211 = arith.constant 0 : i32
    %dma_start3A_212 = arith.constant 0 : i32
    %dma_start3A_213 = tpu.memref_slice %arg2[%dma_start3A_211, %dma_start3A_212] : memref<10000x128xf32, #tpu.memory_space<hbm>> -> memref<10000x128xf32, #tpu.memory_space<hbm>>
    tpu.enqueue_indirect_dma source(%dma_start3A_213 : memref<10000x128xf32, #tpu.memory_space<hbm>>) target(%arg10 : memref<40x128xf32, #tpu.memory_space<vmem>>) offsets(%arg15 : memref<40xi32, #tpu.memory_space<vmem>>) semaphore(%arg23 : memref<!tpu.dma_semaphore, #tpu.memory_space<semaphore_mem>>)
    %dma_wait3A_214 = arith.constant 0 : i32
    %dma_wait3A_215 = arith.constant 0 : i32
    %dma_wait3A_216 = tpu.memref_slice %arg2[%dma_wait3A_214, %dma_wait3A_215] : memref<10000x128xf32, #tpu.memory_space<hbm>> -> memref<10000x128xf32, #tpu.memory_space<hbm>>
    tpu.wait_indirect_dma semaphore(%arg25 : memref<!tpu.dma_semaphore, #tpu.memory_space<semaphore_mem>>) src(%dma_wait3A_216 : memref<10000x128xf32, #tpu.memory_space<hbm>>) dst(%arg12 : memref<40x128xf32, #tpu.memory_space<vmem>>)
    %dma_start3A_217 = arith.constant 4 : i32
    %dma_start3A_218 = arith.constant 0 : i32
    %dma_start3A_219 = tpu.memref_slice %arg18[%dma_start3A_217, %dma_start3A_218] : memref<250x40xi32, #tpu.memory_space<vmem>> -> memref<1x40xi32, #tpu.memory_space<vmem>>
    %dma_start3A_220 = tpu.memref_squeeze %dma_start3A_219 : memref<1x40xi32, #tpu.memory_space<vmem>> -> memref<40xi32, #tpu.memory_space<vmem>>
    %dma_start3A_221 = arith.constant 0 : i32
    %dma_start3A_222 = arith.constant 0 : i32
    %dma_start3A_223 = tpu.memref_slice %arg20[%dma_start3A_221, %dma_start3A_222] : memref<10000x128xf32, #tpu.memory_space<vmem_shared>> -> memref<10000x128xf32, #tpu.memory_space<vmem_shared>>
    tpu.enqueue_indirect_dma source(%arg12 : memref<40x128xf32, #tpu.memory_space<vmem>>) target(%dma_start3A_223 : memref<10000x128xf32, #tpu.memory_space<vmem_shared>>) offsets(%dma_start3A_220 : memref<40xi32, #tpu.memory_space<vmem>>) semaphore(%arg30 : memref<!tpu.dma_semaphore, #tpu.memory_space<semaphore_mem>>) {add = true}
    %dma_start3A_224 = arith.constant 0 : i32
    %dma_start3A_225 = arith.constant 9 : i32
    %dma_start3A_226 = arith.constant 0 : i32
    %dma_start3A_227 = tpu.memref_slice %arg3[%dma_start3A_224, %add3A, %dma_start3A_225, %dma_start3A_226] : memref<2x32x250x40xi32, #tpu.memory_space<hbm>> -> memref<1x1x1x40xi32, #tpu.memory_space<hbm>>
    %dma_start3A_228 = tpu.memref_squeeze %dma_start3A_227 : memref<1x1x1x40xi32, #tpu.memory_space<hbm>> -> memref<40xi32, #tpu.memory_space<hbm>>
    %dma_start3A_229 = arith.constant 0 : i32
    %dma_start3A_230 = tpu.memref_slice %arg3[%dma_start3A_224, %add3A, %dma_start3A_225, %dma_start3A_229] : memref<2x32x250x40xi32, #tpu.memory_space<hbm>> -> memref<1x1x1x40xi32, #tpu.memory_space<hbm>>
    %dma_start3A_231 = tpu.memref_squeeze %dma_start3A_230 : memref<1x1x1x40xi32, #tpu.memory_space<hbm>> -> memref<40xi32, #tpu.memory_space<hbm>>
    tpu.enqueue_dma source(%dma_start3A_231 : memref<40xi32, #tpu.memory_space<hbm>>) target(%arg17 : memref<40xi32, #tpu.memory_space<vmem>>) target_semaphore(%arg35 : memref<!tpu.dma_semaphore, #tpu.memory_space<semaphore_mem>>)
    %scan3A = arith.constant 0 : i32
    %scan3A_232 = arith.constant 1 : i32
    %scan3A_233 = arith.constant 48 : i32
    %scan3A_234 = arith.addi %scan3A_232, %scan3A_233 : i32
    %scan3A_235 = arith.constant 1 : i32
    scf.for %scan3A_423 = %scan3A_232 to %scan3A_234 step %scan3A_235  : i32 {
      %mul3A_424 = arith.constant 5 : i32
      %mul3A_425 = arith.muli %scan3A_423, %mul3A_424 : i32
      %add3A_426 = arith.constant 0 : i32
      %add3A_427 = arith.addi %mul3A_425, %add3A_426 : i32
      %get3A_428 = arith.index_cast %add3A_427 : i32 to index
      %get3A_429 = arith.constant 0 : index
      %get3A_430 = tpu.vector_load %arg18[%get3A_428, %get3A_429] {strides = array<i32>} : memref<250x40xi32, #tpu.memory_space<vmem>>, vector<16xi32>,
      tpu.vector_store_idx %arg19[%get3A_430], %broadcast_in_dim3A_3 {add = true} : memref<10000xf32, #tpu.memory_space<vmem>>[vector<16xi32>], vector<16xf32>,
      %get3A_431 = arith.index_cast %add3A_427 : i32 to index
      %get3A_432 = arith.constant 16 : index
      %get3A_433 = tpu.vector_load %arg18[%get3A_431, %get3A_432] {strides = array<i32>} : memref<250x40xi32, #tpu.memory_space<vmem>>, vector<16xi32>,
      tpu.vector_store_idx %arg19[%get3A_433], %broadcast_in_dim3A_3 {add = true} : memref<10000xf32, #tpu.memory_space<vmem>>[vector<16xi32>], vector<16xf32>,
      %get3A_434 = arith.index_cast %add3A_427 : i32 to index
      %get3A_435 = arith.constant 24 : index
      %get3A_436 = tpu.vector_load %arg18[%get3A_434, %get3A_435] {strides = array<i32>} : memref<250x40xi32, #tpu.memory_space<vmem>>, vector<16xi32>,
      tpu.vector_store_idx %arg19[%get3A_436], %broadcast_in_dim3A_3 masked %ge3A_5 {add = true} : memref<10000xf32, #tpu.memory_space<vmem>>[vector<16xi32>], vector<16xf32>, vector<16xi1>
      %sub3A = arith.constant 2 : i32
      %sub3A_437 = arith.subi %add3A_427, %sub3A : i32
      %dma_wait3A_438 = arith.constant 0 : i32
      %dma_wait3A_439 = tpu.memref_slice %arg18[%sub3A_437, %dma_wait3A_438] : memref<250x40xi32, #tpu.memory_space<vmem>> -> memref<1x40xi32, #tpu.memory_space<vmem>>
      %dma_wait3A_440 = tpu.memref_squeeze %dma_wait3A_439 : memref<1x40xi32, #tpu.memory_space<vmem>> -> memref<40xi32, #tpu.memory_space<vmem>>
      %dma_wait3A_441 = arith.constant 0 : i32
      %dma_wait3A_442 = arith.constant 0 : i32
      %dma_wait3A_443 = tpu.memref_slice %arg20[%dma_wait3A_441, %dma_wait3A_442] : memref<10000x128xf32, #tpu.memory_space<vmem_shared>> -> memref<10000x128xf32, #tpu.memory_space<vmem_shared>>
      tpu.wait_indirect_dma semaphore(%arg29 : memref<!tpu.dma_semaphore, #tpu.memory_space<semaphore_mem>>) src(%arg11 : memref<40x128xf32, #tpu.memory_space<vmem>>) dst(%dma_wait3A_443 : memref<10000x128xf32, #tpu.memory_space<vmem_shared>>)
      %dma_wait3A_444 = arith.constant 0 : i32
      %dma_wait3A_445 = arith.constant 0 : i32
      %dma_wait3A_446 = arith.constant 0 : i32
      %dma_wait3A_447 = tpu.memref_slice %arg3[%dma_wait3A_444, %add3A, %dma_wait3A_445, %dma_wait3A_446] : memref<2x32x250x40xi32, #tpu.memory_space<hbm>> -> memref<1x1x1x40xi32, #tpu.memory_space<hbm>>
      %dma_wait3A_448 = tpu.memref_squeeze %dma_wait3A_447 : memref<1x1x1x40xi32, #tpu.memory_space<hbm>> -> memref<40xi32, #tpu.memory_space<hbm>>
      %dma_wait3A_449 = arith.constant 0 : i32
      %dma_wait3A_450 = tpu.memref_slice %arg3[%dma_wait3A_444, %add3A, %dma_wait3A_445, %dma_wait3A_449] : memref<2x32x250x40xi32, #tpu.memory_space<hbm>> -> memref<1x1x1x40xi32, #tpu.memory_space<hbm>>
      %dma_wait3A_451 = tpu.memref_squeeze %dma_wait3A_450 : memref<1x1x1x40xi32, #tpu.memory_space<hbm>> -> memref<40xi32, #tpu.memory_space<hbm>>
      tpu.wait_dma2 semaphore(%arg34 : memref<!tpu.dma_semaphore, #tpu.memory_space<semaphore_mem>>) src(%dma_wait3A_451 : memref<40xi32, #tpu.memory_space<hbm>>) dst(%arg16 : memref<40xi32, #tpu.memory_space<vmem>>)
      %add3A_452 = arith.constant 3 : i32
      %add3A_453 = arith.addi %add3A_427, %add3A_452 : i32
      %dma_start3A_454 = arith.constant 0 : i32
      %dma_start3A_455 = arith.constant 0 : i32
      %dma_start3A_456 = tpu.memref_slice %arg2[%dma_start3A_454, %dma_start3A_455] : memref<10000x128xf32, #tpu.memory_space<hbm>> -> memref<10000x128xf32, #tpu.memory_space<hbm>>
      tpu.enqueue_indirect_dma source(%dma_start3A_456 : memref<10000x128xf32, #tpu.memory_space<hbm>>) target(%arg11 : memref<40x128xf32, #tpu.memory_space<vmem>>) offsets(%arg16 : memref<40xi32, #tpu.memory_space<vmem>>) semaphore(%arg24 : memref<!tpu.dma_semaphore, #tpu.memory_space<semaphore_mem>>)
      %dma_wait3A_457 = arith.constant 0 : i32
      %dma_wait3A_458 = arith.constant 0 : i32
      %dma_wait3A_459 = tpu.memref_slice %arg2[%dma_wait3A_457, %dma_wait3A_458] : memref<10000x128xf32, #tpu.memory_space<hbm>> -> memref<10000x128xf32, #tpu.memory_space<hbm>>
      tpu.wait_indirect_dma semaphore(%arg21 : memref<!tpu.dma_semaphore, #tpu.memory_space<semaphore_mem>>) src(%dma_wait3A_459 : memref<10000x128xf32, #tpu.memory_space<hbm>>) dst(%arg8 : memref<40x128xf32, #tpu.memory_space<vmem>>)
      %dma_start3A_460 = arith.constant 0 : i32
      %dma_start3A_461 = tpu.memref_slice %arg18[%add3A_427, %dma_start3A_460] : memref<250x40xi32, #tpu.memory_space<vmem>> -> memref<1x40xi32, #tpu.memory_space<vmem>>
      %dma_start3A_462 = tpu.memref_squeeze %dma_start3A_461 : memref<1x40xi32, #tpu.memory_space<vmem>> -> memref<40xi32, #tpu.memory_space<vmem>>
      %dma_start3A_463 = arith.constant 0 : i32
      %dma_start3A_464 = arith.constant 0 : i32
      %dma_start3A_465 = tpu.memref_slice %arg20[%dma_start3A_463, %dma_start3A_464] : memref<10000x128xf32, #tpu.memory_space<vmem_shared>> -> memref<10000x128xf32, #tpu.memory_space<vmem_shared>>
      tpu.enqueue_indirect_dma source(%arg8 : memref<40x128xf32, #tpu.memory_space<vmem>>) target(%dma_start3A_465 : memref<10000x128xf32, #tpu.memory_space<vmem_shared>>) offsets(%dma_start3A_462 : memref<40xi32, #tpu.memory_space<vmem>>) semaphore(%arg26 : memref<!tpu.dma_semaphore, #tpu.memory_space<semaphore_mem>>) {add = true}
      %add3A_466 = arith.constant 5 : i32
      %add3A_467 = arith.addi %add3A_427, %add3A_466 : i32
      %dma_start3A_468 = arith.constant 0 : i32
      %dma_start3A_469 = arith.constant 0 : i32
      %dma_start3A_470 = tpu.memref_slice %arg3[%dma_start3A_468, %add3A, %add3A_467, %dma_start3A_469] : memref<2x32x250x40xi32, #tpu.memory_space<hbm>> -> memref<1x1x1x40xi32, #tpu.memory_space<hbm>>
      %dma_start3A_471 = tpu.memref_squeeze %dma_start3A_470 : memref<1x1x1x40xi32, #tpu.memory_space<hbm>> -> memref<40xi32, #tpu.memory_space<hbm>>
      %dma_start3A_472 = arith.constant 0 : i32
      %dma_start3A_473 = tpu.memref_slice %arg3[%dma_start3A_468, %add3A, %add3A_467, %dma_start3A_472] : memref<2x32x250x40xi32, #tpu.memory_space<hbm>> -> memref<1x1x1x40xi32, #tpu.memory_space<hbm>>
      %dma_start3A_474 = tpu.memref_squeeze %dma_start3A_473 : memref<1x1x1x40xi32, #tpu.memory_space<hbm>> -> memref<40xi32, #tpu.memory_space<hbm>>
      tpu.enqueue_dma source(%dma_start3A_474 : memref<40xi32, #tpu.memory_space<hbm>>) target(%arg13 : memref<40xi32, #tpu.memory_space<vmem>>) target_semaphore(%arg31 : memref<!tpu.dma_semaphore, #tpu.memory_space<semaphore_mem>>)
      %mul3A_475 = arith.constant 5 : i32
      %mul3A_476 = arith.muli %scan3A_423, %mul3A_475 : i32
      %add3A_477 = arith.constant 1 : i32
      %add3A_478 = arith.addi %mul3A_476, %add3A_477 : i32
      %get3A_479 = arith.index_cast %add3A_478 : i32 to index
      %get3A_480 = arith.constant 0 : index
      %get3A_481 = tpu.vector_load %arg18[%get3A_479, %get3A_480] {strides = array<i32>} : memref<250x40xi32, #tpu.memory_space<vmem>>, vector<16xi32>,
      tpu.vector_store_idx %arg19[%get3A_481], %broadcast_in_dim3A_3 {add = true} : memref<10000xf32, #tpu.memory_space<vmem>>[vector<16xi32>], vector<16xf32>,
      %get3A_482 = arith.index_cast %add3A_478 : i32 to index
      %get3A_483 = arith.constant 16 : index
      %get3A_484 = tpu.vector_load %arg18[%get3A_482, %get3A_483] {strides = array<i32>} : memref<250x40xi32, #tpu.memory_space<vmem>>, vector<16xi32>,
      tpu.vector_store_idx %arg19[%get3A_484], %broadcast_in_dim3A_3 {add = true} : memref<10000xf32, #tpu.memory_space<vmem>>[vector<16xi32>], vector<16xf32>,
      %get3A_485 = arith.index_cast %add3A_478 : i32 to index
      %get3A_486 = arith.constant 24 : index
      %get3A_487 = tpu.vector_load %arg18[%get3A_485, %get3A_486] {strides = array<i32>} : memref<250x40xi32, #tpu.memory_space<vmem>>, vector<16xi32>,
      tpu.vector_store_idx %arg19[%get3A_487], %broadcast_in_dim3A_3 masked %ge3A_5 {add = true} : memref<10000xf32, #tpu.memory_space<vmem>>[vector<16xi32>], vector<16xf32>, vector<16xi1>
      %sub3A_488 = arith.constant 2 : i32
      %sub3A_489 = arith.subi %add3A_478, %sub3A_488 : i32
      %dma_wait3A_490 = arith.constant 0 : i32
      %dma_wait3A_491 = tpu.memref_slice %arg18[%sub3A_489, %dma_wait3A_490] : memref<250x40xi32, #tpu.memory_space<vmem>> -> memref<1x40xi32, #tpu.memory_space<vmem>>
      %dma_wait3A_492 = tpu.memref_squeeze %dma_wait3A_491 : memref<1x40xi32, #tpu.memory_space<vmem>> -> memref<40xi32, #tpu.memory_space<vmem>>
      %dma_wait3A_493 = arith.constant 0 : i32
      %dma_wait3A_494 = arith.constant 0 : i32
      %dma_wait3A_495 = tpu.memref_slice %arg20[%dma_wait3A_493, %dma_wait3A_494] : memref<10000x128xf32, #tpu.memory_space<vmem_shared>> -> memref<10000x128xf32, #tpu.memory_space<vmem_shared>>
      tpu.wait_indirect_dma semaphore(%arg30 : memref<!tpu.dma_semaphore, #tpu.memory_space<semaphore_mem>>) src(%arg12 : memref<40x128xf32, #tpu.memory_space<vmem>>) dst(%dma_wait3A_495 : memref<10000x128xf32, #tpu.memory_space<vmem_shared>>)
      %dma_wait3A_496 = arith.constant 0 : i32
      %dma_wait3A_497 = arith.constant 0 : i32
      %dma_wait3A_498 = arith.constant 0 : i32
      %dma_wait3A_499 = tpu.memref_slice %arg3[%dma_wait3A_496, %add3A, %dma_wait3A_497, %dma_wait3A_498] : memref<2x32x250x40xi32, #tpu.memory_space<hbm>> -> memref<1x1x1x40xi32, #tpu.memory_space<hbm>>
      %dma_wait3A_500 = tpu.memref_squeeze %dma_wait3A_499 : memref<1x1x1x40xi32, #tpu.memory_space<hbm>> -> memref<40xi32, #tpu.memory_space<hbm>>
      %dma_wait3A_501 = arith.constant 0 : i32
      %dma_wait3A_502 = tpu.memref_slice %arg3[%dma_wait3A_496, %add3A, %dma_wait3A_497, %dma_wait3A_501] : memref<2x32x250x40xi32, #tpu.memory_space<hbm>> -> memref<1x1x1x40xi32, #tpu.memory_space<hbm>>
      %dma_wait3A_503 = tpu.memref_squeeze %dma_wait3A_502 : memref<1x1x1x40xi32, #tpu.memory_space<hbm>> -> memref<40xi32, #tpu.memory_space<hbm>>
      tpu.wait_dma2 semaphore(%arg35 : memref<!tpu.dma_semaphore, #tpu.memory_space<semaphore_mem>>) src(%dma_wait3A_503 : memref<40xi32, #tpu.memory_space<hbm>>) dst(%arg17 : memref<40xi32, #tpu.memory_space<vmem>>)
      %add3A_504 = arith.constant 3 : i32
      %add3A_505 = arith.addi %add3A_478, %add3A_504 : i32
      %dma_start3A_506 = arith.constant 0 : i32
      %dma_start3A_507 = arith.constant 0 : i32
      %dma_start3A_508 = tpu.memref_slice %arg2[%dma_start3A_506, %dma_start3A_507] : memref<10000x128xf32, #tpu.memory_space<hbm>> -> memref<10000x128xf32, #tpu.memory_space<hbm>>
      tpu.enqueue_indirect_dma source(%dma_start3A_508 : memref<10000x128xf32, #tpu.memory_space<hbm>>) target(%arg12 : memref<40x128xf32, #tpu.memory_space<vmem>>) offsets(%arg17 : memref<40xi32, #tpu.memory_space<vmem>>) semaphore(%arg25 : memref<!tpu.dma_semaphore, #tpu.memory_space<semaphore_mem>>)
      %dma_wait3A_509 = arith.constant 0 : i32
      %dma_wait3A_510 = arith.constant 0 : i32
      %dma_wait3A_511 = tpu.memref_slice %arg2[%dma_wait3A_509, %dma_wait3A_510] : memref<10000x128xf32, #tpu.memory_space<hbm>> -> memref<10000x128xf32, #tpu.memory_space<hbm>>
      tpu.wait_indirect_dma semaphore(%arg22 : memref<!tpu.dma_semaphore, #tpu.memory_space<semaphore_mem>>) src(%dma_wait3A_511 : memref<10000x128xf32, #tpu.memory_space<hbm>>) dst(%arg9 : memref<40x128xf32, #tpu.memory_space<vmem>>)
      %dma_start3A_512 = arith.constant 0 : i32
      %dma_start3A_513 = tpu.memref_slice %arg18[%add3A_478, %dma_start3A_512] : memref<250x40xi32, #tpu.memory_space<vmem>> -> memref<1x40xi32, #tpu.memory_space<vmem>>
      %dma_start3A_514 = tpu.memref_squeeze %dma_start3A_513 : memref<1x40xi32, #tpu.memory_space<vmem>> -> memref<40xi32, #tpu.memory_space<vmem>>
      %dma_start3A_515 = arith.constant 0 : i32
      %dma_start3A_516 = arith.constant 0 : i32
      %dma_start3A_517 = tpu.memref_slice %arg20[%dma_start3A_515, %dma_start3A_516] : memref<10000x128xf32, #tpu.memory_space<vmem_shared>> -> memref<10000x128xf32, #tpu.memory_space<vmem_shared>>
      tpu.enqueue_indirect_dma source(%arg9 : memref<40x128xf32, #tpu.memory_space<vmem>>) target(%dma_start3A_517 : memref<10000x128xf32, #tpu.memory_space<vmem_shared>>) offsets(%dma_start3A_514 : memref<40xi32, #tpu.memory_space<vmem>>) semaphore(%arg27 : memref<!tpu.dma_semaphore, #tpu.memory_space<semaphore_mem>>) {add = true}
      %add3A_518 = arith.constant 5 : i32
      %add3A_519 = arith.addi %add3A_478, %add3A_518 : i32
      %dma_start3A_520 = arith.constant 0 : i32
      %dma_start3A_521 = arith.constant 0 : i32
      %dma_start3A_522 = tpu.memref_slice %arg3[%dma_start3A_520, %add3A, %add3A_519, %dma_start3A_521] : memref<2x32x250x40xi32, #tpu.memory_space<hbm>> -> memref<1x1x1x40xi32, #tpu.memory_space<hbm>>
      %dma_start3A_523 = tpu.memref_squeeze %dma_start3A_522 : memref<1x1x1x40xi32, #tpu.memory_space<hbm>> -> memref<40xi32, #tpu.memory_space<hbm>>
      %dma_start3A_524 = arith.constant 0 : i32
      %dma_start3A_525 = tpu.memref_slice %arg3[%dma_start3A_520, %add3A, %add3A_519, %dma_start3A_524] : memref<2x32x250x40xi32, #tpu.memory_space<hbm>> -> memref<1x1x1x40xi32, #tpu.memory_space<hbm>>
      %dma_start3A_526 = tpu.memref_squeeze %dma_start3A_525 : memref<1x1x1x40xi32, #tpu.memory_space<hbm>> -> memref<40xi32, #tpu.memory_space<hbm>>
      tpu.enqueue_dma source(%dma_start3A_526 : memref<40xi32, #tpu.memory_space<hbm>>) target(%arg14 : memref<40xi32, #tpu.memory_space<vmem>>) target_semaphore(%arg32 : memref<!tpu.dma_semaphore, #tpu.memory_space<semaphore_mem>>)
      %mul3A_527 = arith.constant 5 : i32
      %mul3A_528 = arith.muli %scan3A_423, %mul3A_527 : i32
      %add3A_529 = arith.constant 2 : i32
      %add3A_530 = arith.addi %mul3A_528, %add3A_529 : i32
      %get3A_531 = arith.index_cast %add3A_530 : i32 to index
      %get3A_532 = arith.constant 0 : index
      %get3A_533 = tpu.vector_load %arg18[%get3A_531, %get3A_532] {strides = array<i32>} : memref<250x40xi32, #tpu.memory_space<vmem>>, vector<16xi32>,
      tpu.vector_store_idx %arg19[%get3A_533], %broadcast_in_dim3A_3 {add = true} : memref<10000xf32, #tpu.memory_space<vmem>>[vector<16xi32>], vector<16xf32>,
      %get3A_534 = arith.index_cast %add3A_530 : i32 to index
      %get3A_535 = arith.constant 16 : index
      %get3A_536 = tpu.vector_load %arg18[%get3A_534, %get3A_535] {strides = array<i32>} : memref<250x40xi32, #tpu.memory_space<vmem>>, vector<16xi32>,
      tpu.vector_store_idx %arg19[%get3A_536], %broadcast_in_dim3A_3 {add = true} : memref<10000xf32, #tpu.memory_space<vmem>>[vector<16xi32>], vector<16xf32>,
      %get3A_537 = arith.index_cast %add3A_530 : i32 to index
      %get3A_538 = arith.constant 24 : index
      %get3A_539 = tpu.vector_load %arg18[%get3A_537, %get3A_538] {strides = array<i32>} : memref<250x40xi32, #tpu.memory_space<vmem>>, vector<16xi32>,
      tpu.vector_store_idx %arg19[%get3A_539], %broadcast_in_dim3A_3 masked %ge3A_5 {add = true} : memref<10000xf32, #tpu.memory_space<vmem>>[vector<16xi32>], vector<16xf32>, vector<16xi1>
      %sub3A_540 = arith.constant 2 : i32
      %sub3A_541 = arith.subi %add3A_530, %sub3A_540 : i32
      %dma_wait3A_542 = arith.constant 0 : i32
      %dma_wait3A_543 = tpu.memref_slice %arg18[%sub3A_541, %dma_wait3A_542] : memref<250x40xi32, #tpu.memory_space<vmem>> -> memref<1x40xi32, #tpu.memory_space<vmem>>
      %dma_wait3A_544 = tpu.memref_squeeze %dma_wait3A_543 : memref<1x40xi32, #tpu.memory_space<vmem>> -> memref<40xi32, #tpu.memory_space<vmem>>
      %dma_wait3A_545 = arith.constant 0 : i32
      %dma_wait3A_546 = arith.constant 0 : i32
      %dma_wait3A_547 = tpu.memref_slice %arg20[%dma_wait3A_545, %dma_wait3A_546] : memref<10000x128xf32, #tpu.memory_space<vmem_shared>> -> memref<10000x128xf32, #tpu.memory_space<vmem_shared>>
      tpu.wait_indirect_dma semaphore(%arg26 : memref<!tpu.dma_semaphore, #tpu.memory_space<semaphore_mem>>) src(%arg8 : memref<40x128xf32, #tpu.memory_space<vmem>>) dst(%dma_wait3A_547 : memref<10000x128xf32, #tpu.memory_space<vmem_shared>>)
      %dma_wait3A_548 = arith.constant 0 : i32
      %dma_wait3A_549 = arith.constant 0 : i32
      %dma_wait3A_550 = arith.constant 0 : i32
      %dma_wait3A_551 = tpu.memref_slice %arg3[%dma_wait3A_548, %add3A, %dma_wait3A_549, %dma_wait3A_550] : memref<2x32x250x40xi32, #tpu.memory_space<hbm>> -> memref<1x1x1x40xi32, #tpu.memory_space<hbm>>
      %dma_wait3A_552 = tpu.memref_squeeze %dma_wait3A_551 : memref<1x1x1x40xi32, #tpu.memory_space<hbm>> -> memref<40xi32, #tpu.memory_space<hbm>>
      %dma_wait3A_553 = arith.constant 0 : i32
      %dma_wait3A_554 = tpu.memref_slice %arg3[%dma_wait3A_548, %add3A, %dma_wait3A_549, %dma_wait3A_553] : memref<2x32x250x40xi32, #tpu.memory_space<hbm>> -> memref<1x1x1x40xi32, #tpu.memory_space<hbm>>
      %dma_wait3A_555 = tpu.memref_squeeze %dma_wait3A_554 : memref<1x1x1x40xi32, #tpu.memory_space<hbm>> -> memref<40xi32, #tpu.memory_space<hbm>>
      tpu.wait_dma2 semaphore(%arg31 : memref<!tpu.dma_semaphore, #tpu.memory_space<semaphore_mem>>) src(%dma_wait3A_555 : memref<40xi32, #tpu.memory_space<hbm>>) dst(%arg13 : memref<40xi32, #tpu.memory_space<vmem>>)
      %add3A_556 = arith.constant 3 : i32
      %add3A_557 = arith.addi %add3A_530, %add3A_556 : i32
      %dma_start3A_558 = arith.constant 0 : i32
      %dma_start3A_559 = arith.constant 0 : i32
      %dma_start3A_560 = tpu.memref_slice %arg2[%dma_start3A_558, %dma_start3A_559] : memref<10000x128xf32, #tpu.memory_space<hbm>> -> memref<10000x128xf32, #tpu.memory_space<hbm>>
      tpu.enqueue_indirect_dma source(%dma_start3A_560 : memref<10000x128xf32, #tpu.memory_space<hbm>>) target(%arg8 : memref<40x128xf32, #tpu.memory_space<vmem>>) offsets(%arg13 : memref<40xi32, #tpu.memory_space<vmem>>) semaphore(%arg21 : memref<!tpu.dma_semaphore, #tpu.memory_space<semaphore_mem>>)
      %dma_wait3A_561 = arith.constant 0 : i32
      %dma_wait3A_562 = arith.constant 0 : i32
      %dma_wait3A_563 = tpu.memref_slice %arg2[%dma_wait3A_561, %dma_wait3A_562] : memref<10000x128xf32, #tpu.memory_space<hbm>> -> memref<10000x128xf32, #tpu.memory_space<hbm>>
      tpu.wait_indirect_dma semaphore(%arg23 : memref<!tpu.dma_semaphore, #tpu.memory_space<semaphore_mem>>) src(%dma_wait3A_563 : memref<10000x128xf32, #tpu.memory_space<hbm>>) dst(%arg10 : memref<40x128xf32, #tpu.memory_space<vmem>>)
      %dma_start3A_564 = arith.constant 0 : i32
      %dma_start3A_565 = tpu.memref_slice %arg18[%add3A_530, %dma_start3A_564] : memref<250x40xi32, #tpu.memory_space<vmem>> -> memref<1x40xi32, #tpu.memory_space<vmem>>
      %dma_start3A_566 = tpu.memref_squeeze %dma_start3A_565 : memref<1x40xi32, #tpu.memory_space<vmem>> -> memref<40xi32, #tpu.memory_space<vmem>>
      %dma_start3A_567 = arith.constant 0 : i32
      %dma_start3A_568 = arith.constant 0 : i32
      %dma_start3A_569 = tpu.memref_slice %arg20[%dma_start3A_567, %dma_start3A_568] : memref<10000x128xf32, #tpu.memory_space<vmem_shared>> -> memref<10000x128xf32, #tpu.memory_space<vmem_shared>>
      tpu.enqueue_indirect_dma source(%arg10 : memref<40x128xf32, #tpu.memory_space<vmem>>) target(%dma_start3A_569 : memref<10000x128xf32, #tpu.memory_space<vmem_shared>>) offsets(%dma_start3A_566 : memref<40xi32, #tpu.memory_space<vmem>>) semaphore(%arg28 : memref<!tpu.dma_semaphore, #tpu.memory_space<semaphore_mem>>) {add = true}
      %add3A_570 = arith.constant 5 : i32
      %add3A_571 = arith.addi %add3A_530, %add3A_570 : i32
      %dma_start3A_572 = arith.constant 0 : i32
      %dma_start3A_573 = arith.constant 0 : i32
      %dma_start3A_574 = tpu.memref_slice %arg3[%dma_start3A_572, %add3A, %add3A_571, %dma_start3A_573] : memref<2x32x250x40xi32, #tpu.memory_space<hbm>> -> memref<1x1x1x40xi32, #tpu.memory_space<hbm>>
      %dma_start3A_575 = tpu.memref_squeeze %dma_start3A_574 : memref<1x1x1x40xi32, #tpu.memory_space<hbm>> -> memref<40xi32, #tpu.memory_space<hbm>>
      %dma_start3A_576 = arith.constant 0 : i32
      %dma_start3A_577 = tpu.memref_slice %arg3[%dma_start3A_572, %add3A, %add3A_571, %dma_start3A_576] : memref<2x32x250x40xi32, #tpu.memory_space<hbm>> -> memref<1x1x1x40xi32, #tpu.memory_space<hbm>>
      %dma_start3A_578 = tpu.memref_squeeze %dma_start3A_577 : memref<1x1x1x40xi32, #tpu.memory_space<hbm>> -> memref<40xi32, #tpu.memory_space<hbm>>
      tpu.enqueue_dma source(%dma_start3A_578 : memref<40xi32, #tpu.memory_space<hbm>>) target(%arg15 : memref<40xi32, #tpu.memory_space<vmem>>) target_semaphore(%arg33 : memref<!tpu.dma_semaphore, #tpu.memory_space<semaphore_mem>>)
      %mul3A_579 = arith.constant 5 : i32
      %mul3A_580 = arith.muli %scan3A_423, %mul3A_579 : i32
      %add3A_581 = arith.constant 3 : i32
      %add3A_582 = arith.addi %mul3A_580, %add3A_581 : i32
      %get3A_583 = arith.index_cast %add3A_582 : i32 to index
      %get3A_584 = arith.constant 0 : index
      %get3A_585 = tpu.vector_load %arg18[%get3A_583, %get3A_584] {strides = array<i32>} : memref<250x40xi32, #tpu.memory_space<vmem>>, vector<16xi32>,
      tpu.vector_store_idx %arg19[%get3A_585], %broadcast_in_dim3A_3 {add = true} : memref<10000xf32, #tpu.memory_space<vmem>>[vector<16xi32>], vector<16xf32>,
      %get3A_586 = arith.index_cast %add3A_582 : i32 to index
      %get3A_587 = arith.constant 16 : index
      %get3A_588 = tpu.vector_load %arg18[%get3A_586, %get3A_587] {strides = array<i32>} : memref<250x40xi32, #tpu.memory_space<vmem>>, vector<16xi32>,
      tpu.vector_store_idx %arg19[%get3A_588], %broadcast_in_dim3A_3 {add = true} : memref<10000xf32, #tpu.memory_space<vmem>>[vector<16xi32>], vector<16xf32>,
      %get3A_589 = arith.index_cast %add3A_582 : i32 to index
      %get3A_590 = arith.constant 24 : index
      %get3A_591 = tpu.vector_load %arg18[%get3A_589, %get3A_590] {strides = array<i32>} : memref<250x40xi32, #tpu.memory_space<vmem>>, vector<16xi32>,
      tpu.vector_store_idx %arg19[%get3A_591], %broadcast_in_dim3A_3 masked %ge3A_5 {add = true} : memref<10000xf32, #tpu.memory_space<vmem>>[vector<16xi32>], vector<16xf32>, vector<16xi1>
      %sub3A_592 = arith.constant 2 : i32
      %sub3A_593 = arith.subi %add3A_582, %sub3A_592 : i32
      %dma_wait3A_594 = arith.constant 0 : i32
      %dma_wait3A_595 = tpu.memref_slice %arg18[%sub3A_593, %dma_wait3A_594] : memref<250x40xi32, #tpu.memory_space<vmem>> -> memref<1x40xi32, #tpu.memory_space<vmem>>
      %dma_wait3A_596 = tpu.memref_squeeze %dma_wait3A_595 : memref<1x40xi32, #tpu.memory_space<vmem>> -> memref<40xi32, #tpu.memory_space<vmem>>
      %dma_wait3A_597 = arith.constant 0 : i32
      %dma_wait3A_598 = arith.constant 0 : i32
      %dma_wait3A_599 = tpu.memref_slice %arg20[%dma_wait3A_597, %dma_wait3A_598] : memref<10000x128xf32, #tpu.memory_space<vmem_shared>> -> memref<10000x128xf32, #tpu.memory_space<vmem_shared>>
      tpu.wait_indirect_dma semaphore(%arg27 : memref<!tpu.dma_semaphore, #tpu.memory_space<semaphore_mem>>) src(%arg9 : memref<40x128xf32, #tpu.memory_space<vmem>>) dst(%dma_wait3A_599 : memref<10000x128xf32, #tpu.memory_space<vmem_shared>>)
      %dma_wait3A_600 = arith.constant 0 : i32
      %dma_wait3A_601 = arith.constant 0 : i32
      %dma_wait3A_602 = arith.constant 0 : i32
      %dma_wait3A_603 = tpu.memref_slice %arg3[%dma_wait3A_600, %add3A, %dma_wait3A_601, %dma_wait3A_602] : memref<2x32x250x40xi32, #tpu.memory_space<hbm>> -> memref<1x1x1x40xi32, #tpu.memory_space<hbm>>
      %dma_wait3A_604 = tpu.memref_squeeze %dma_wait3A_603 : memref<1x1x1x40xi32, #tpu.memory_space<hbm>> -> memref<40xi32, #tpu.memory_space<hbm>>
      %dma_wait3A_605 = arith.constant 0 : i32
      %dma_wait3A_606 = tpu.memref_slice %arg3[%dma_wait3A_600, %add3A, %dma_wait3A_601, %dma_wait3A_605] : memref<2x32x250x40xi32, #tpu.memory_space<hbm>> -> memref<1x1x1x40xi32, #tpu.memory_space<hbm>>
      %dma_wait3A_607 = tpu.memref_squeeze %dma_wait3A_606 : memref<1x1x1x40xi32, #tpu.memory_space<hbm>> -> memref<40xi32, #tpu.memory_space<hbm>>
      tpu.wait_dma2 semaphore(%arg32 : memref<!tpu.dma_semaphore, #tpu.memory_space<semaphore_mem>>) src(%dma_wait3A_607 : memref<40xi32, #tpu.memory_space<hbm>>) dst(%arg14 : memref<40xi32, #tpu.memory_space<vmem>>)
      %add3A_608 = arith.constant 3 : i32
      %add3A_609 = arith.addi %add3A_582, %add3A_608 : i32
      %dma_start3A_610 = arith.constant 0 : i32
      %dma_start3A_611 = arith.constant 0 : i32
      %dma_start3A_612 = tpu.memref_slice %arg2[%dma_start3A_610, %dma_start3A_611] : memref<10000x128xf32, #tpu.memory_space<hbm>> -> memref<10000x128xf32, #tpu.memory_space<hbm>>
      tpu.enqueue_indirect_dma source(%dma_start3A_612 : memref<10000x128xf32, #tpu.memory_space<hbm>>) target(%arg9 : memref<40x128xf32, #tpu.memory_space<vmem>>) offsets(%arg14 : memref<40xi32, #tpu.memory_space<vmem>>) semaphore(%arg22 : memref<!tpu.dma_semaphore, #tpu.memory_space<semaphore_mem>>)
      %dma_wait3A_613 = arith.constant 0 : i32
      %dma_wait3A_614 = arith.constant 0 : i32
      %dma_wait3A_615 = tpu.memref_slice %arg2[%dma_wait3A_613, %dma_wait3A_614] : memref<10000x128xf32, #tpu.memory_space<hbm>> -> memref<10000x128xf32, #tpu.memory_space<hbm>>
      tpu.wait_indirect_dma semaphore(%arg24 : memref<!tpu.dma_semaphore, #tpu.memory_space<semaphore_mem>>) src(%dma_wait3A_615 : memref<10000x128xf32, #tpu.memory_space<hbm>>) dst(%arg11 : memref<40x128xf32, #tpu.memory_space<vmem>>)
      %dma_start3A_616 = arith.constant 0 : i32
      %dma_start3A_617 = tpu.memref_slice %arg18[%add3A_582, %dma_start3A_616] : memref<250x40xi32, #tpu.memory_space<vmem>> -> memref<1x40xi32, #tpu.memory_space<vmem>>
      %dma_start3A_618 = tpu.memref_squeeze %dma_start3A_617 : memref<1x40xi32, #tpu.memory_space<vmem>> -> memref<40xi32, #tpu.memory_space<vmem>>
      %dma_start3A_619 = arith.constant 0 : i32
      %dma_start3A_620 = arith.constant 0 : i32
      %dma_start3A_621 = tpu.memref_slice %arg20[%dma_start3A_619, %dma_start3A_620] : memref<10000x128xf32, #tpu.memory_space<vmem_shared>> -> memref<10000x128xf32, #tpu.memory_space<vmem_shared>>
      tpu.enqueue_indirect_dma source(%arg11 : memref<40x128xf32, #tpu.memory_space<vmem>>) target(%dma_start3A_621 : memref<10000x128xf32, #tpu.memory_space<vmem_shared>>) offsets(%dma_start3A_618 : memref<40xi32, #tpu.memory_space<vmem>>) semaphore(%arg29 : memref<!tpu.dma_semaphore, #tpu.memory_space<semaphore_mem>>) {add = true}
      %add3A_622 = arith.constant 5 : i32
      %add3A_623 = arith.addi %add3A_582, %add3A_622 : i32
      %dma_start3A_624 = arith.constant 0 : i32
      %dma_start3A_625 = arith.constant 0 : i32
      %dma_start3A_626 = tpu.memref_slice %arg3[%dma_start3A_624, %add3A, %add3A_623, %dma_start3A_625] : memref<2x32x250x40xi32, #tpu.memory_space<hbm>> -> memref<1x1x1x40xi32, #tpu.memory_space<hbm>>
      %dma_start3A_627 = tpu.memref_squeeze %dma_start3A_626 : memref<1x1x1x40xi32, #tpu.memory_space<hbm>> -> memref<40xi32, #tpu.memory_space<hbm>>
      %dma_start3A_628 = arith.constant 0 : i32
      %dma_start3A_629 = tpu.memref_slice %arg3[%dma_start3A_624, %add3A, %add3A_623, %dma_start3A_628] : memref<2x32x250x40xi32, #tpu.memory_space<hbm>> -> memref<1x1x1x40xi32, #tpu.memory_space<hbm>>
      %dma_start3A_630 = tpu.memref_squeeze %dma_start3A_629 : memref<1x1x1x40xi32, #tpu.memory_space<hbm>> -> memref<40xi32, #tpu.memory_space<hbm>>
      tpu.enqueue_dma source(%dma_start3A_630 : memref<40xi32, #tpu.memory_space<hbm>>) target(%arg16 : memref<40xi32, #tpu.memory_space<vmem>>) target_semaphore(%arg34 : memref<!tpu.dma_semaphore, #tpu.memory_space<semaphore_mem>>)
      %mul3A_631 = arith.constant 5 : i32
      %mul3A_632 = arith.muli %scan3A_423, %mul3A_631 : i32
      %add3A_633 = arith.constant 4 : i32
      %add3A_634 = arith.addi %mul3A_632, %add3A_633 : i32
      %get3A_635 = arith.index_cast %add3A_634 : i32 to index
      %get3A_636 = arith.constant 0 : index
      %get3A_637 = tpu.vector_load %arg18[%get3A_635, %get3A_636] {strides = array<i32>} : memref<250x40xi32, #tpu.memory_space<vmem>>, vector<16xi32>,
      tpu.vector_store_idx %arg19[%get3A_637], %broadcast_in_dim3A_3 {add = true} : memref<10000xf32, #tpu.memory_space<vmem>>[vector<16xi32>], vector<16xf32>,
      %get3A_638 = arith.index_cast %add3A_634 : i32 to index
      %get3A_639 = arith.constant 16 : index
      %get3A_640 = tpu.vector_load %arg18[%get3A_638, %get3A_639] {strides = array<i32>} : memref<250x40xi32, #tpu.memory_space<vmem>>, vector<16xi32>,
      tpu.vector_store_idx %arg19[%get3A_640], %broadcast_in_dim3A_3 {add = true} : memref<10000xf32, #tpu.memory_space<vmem>>[vector<16xi32>], vector<16xf32>,
      %get3A_641 = arith.index_cast %add3A_634 : i32 to index
      %get3A_642 = arith.constant 24 : index
      %get3A_643 = tpu.vector_load %arg18[%get3A_641, %get3A_642] {strides = array<i32>} : memref<250x40xi32, #tpu.memory_space<vmem>>, vector<16xi32>,
      tpu.vector_store_idx %arg19[%get3A_643], %broadcast_in_dim3A_3 masked %ge3A_5 {add = true} : memref<10000xf32, #tpu.memory_space<vmem>>[vector<16xi32>], vector<16xf32>, vector<16xi1>
      %sub3A_644 = arith.constant 2 : i32
      %sub3A_645 = arith.subi %add3A_634, %sub3A_644 : i32
      %dma_wait3A_646 = arith.constant 0 : i32
      %dma_wait3A_647 = tpu.memref_slice %arg18[%sub3A_645, %dma_wait3A_646] : memref<250x40xi32, #tpu.memory_space<vmem>> -> memref<1x40xi32, #tpu.memory_space<vmem>>
      %dma_wait3A_648 = tpu.memref_squeeze %dma_wait3A_647 : memref<1x40xi32, #tpu.memory_space<vmem>> -> memref<40xi32, #tpu.memory_space<vmem>>
      %dma_wait3A_649 = arith.constant 0 : i32
      %dma_wait3A_650 = arith.constant 0 : i32
      %dma_wait3A_651 = tpu.memref_slice %arg20[%dma_wait3A_649, %dma_wait3A_650] : memref<10000x128xf32, #tpu.memory_space<vmem_shared>> -> memref<10000x128xf32, #tpu.memory_space<vmem_shared>>
      tpu.wait_indirect_dma semaphore(%arg28 : memref<!tpu.dma_semaphore, #tpu.memory_space<semaphore_mem>>) src(%arg10 : memref<40x128xf32, #tpu.memory_space<vmem>>) dst(%dma_wait3A_651 : memref<10000x128xf32, #tpu.memory_space<vmem_shared>>)
      %dma_wait3A_652 = arith.constant 0 : i32
      %dma_wait3A_653 = arith.constant 0 : i32
      %dma_wait3A_654 = arith.constant 0 : i32
      %dma_wait3A_655 = tpu.memref_slice %arg3[%dma_wait3A_652, %add3A, %dma_wait3A_653, %dma_wait3A_654] : memref<2x32x250x40xi32, #tpu.memory_space<hbm>> -> memref<1x1x1x40xi32, #tpu.memory_space<hbm>>
      %dma_wait3A_656 = tpu.memref_squeeze %dma_wait3A_655 : memref<1x1x1x40xi32, #tpu.memory_space<hbm>> -> memref<40xi32, #tpu.memory_space<hbm>>
      %dma_wait3A_657 = arith.constant 0 : i32
      %dma_wait3A_658 = tpu.memref_slice %arg3[%dma_wait3A_652, %add3A, %dma_wait3A_653, %dma_wait3A_657] : memref<2x32x250x40xi32, #tpu.memory_space<hbm>> -> memref<1x1x1x40xi32, #tpu.memory_space<hbm>>
      %dma_wait3A_659 = tpu.memref_squeeze %dma_wait3A_658 : memref<1x1x1x40xi32, #tpu.memory_space<hbm>> -> memref<40xi32, #tpu.memory_space<hbm>>
      tpu.wait_dma2 semaphore(%arg33 : memref<!tpu.dma_semaphore, #tpu.memory_space<semaphore_mem>>) src(%dma_wait3A_659 : memref<40xi32, #tpu.memory_space<hbm>>) dst(%arg15 : memref<40xi32, #tpu.memory_space<vmem>>)
      %add3A_660 = arith.constant 3 : i32
      %add3A_661 = arith.addi %add3A_634, %add3A_660 : i32
      %dma_start3A_662 = arith.constant 0 : i32
      %dma_start3A_663 = arith.constant 0 : i32
      %dma_start3A_664 = tpu.memref_slice %arg2[%dma_start3A_662, %dma_start3A_663] : memref<10000x128xf32, #tpu.memory_space<hbm>> -> memref<10000x128xf32, #tpu.memory_space<hbm>>
      tpu.enqueue_indirect_dma source(%dma_start3A_664 : memref<10000x128xf32, #tpu.memory_space<hbm>>) target(%arg10 : memref<40x128xf32, #tpu.memory_space<vmem>>) offsets(%arg15 : memref<40xi32, #tpu.memory_space<vmem>>) semaphore(%arg23 : memref<!tpu.dma_semaphore, #tpu.memory_space<semaphore_mem>>)
      %dma_wait3A_665 = arith.constant 0 : i32
      %dma_wait3A_666 = arith.constant 0 : i32
      %dma_wait3A_667 = tpu.memref_slice %arg2[%dma_wait3A_665, %dma_wait3A_666] : memref<10000x128xf32, #tpu.memory_space<hbm>> -> memref<10000x128xf32, #tpu.memory_space<hbm>>
      tpu.wait_indirect_dma semaphore(%arg25 : memref<!tpu.dma_semaphore, #tpu.memory_space<semaphore_mem>>) src(%dma_wait3A_667 : memref<10000x128xf32, #tpu.memory_space<hbm>>) dst(%arg12 : memref<40x128xf32, #tpu.memory_space<vmem>>)
      %dma_start3A_668 = arith.constant 0 : i32
      %dma_start3A_669 = tpu.memref_slice %arg18[%add3A_634, %dma_start3A_668] : memref<250x40xi32, #tpu.memory_space<vmem>> -> memref<1x40xi32, #tpu.memory_space<vmem>>
      %dma_start3A_670 = tpu.memref_squeeze %dma_start3A_669 : memref<1x40xi32, #tpu.memory_space<vmem>> -> memref<40xi32, #tpu.memory_space<vmem>>
      %dma_start3A_671 = arith.constant 0 : i32
      %dma_start3A_672 = arith.constant 0 : i32
      %dma_start3A_673 = tpu.memref_slice %arg20[%dma_start3A_671, %dma_start3A_672] : memref<10000x128xf32, #tpu.memory_space<vmem_shared>> -> memref<10000x128xf32, #tpu.memory_space<vmem_shared>>
      tpu.enqueue_indirect_dma source(%arg12 : memref<40x128xf32, #tpu.memory_space<vmem>>) target(%dma_start3A_673 : memref<10000x128xf32, #tpu.memory_space<vmem_shared>>) offsets(%dma_start3A_670 : memref<40xi32, #tpu.memory_space<vmem>>) semaphore(%arg30 : memref<!tpu.dma_semaphore, #tpu.memory_space<semaphore_mem>>) {add = true}
      %add3A_674 = arith.constant 5 : i32
      %add3A_675 = arith.addi %add3A_634, %add3A_674 : i32
      %dma_start3A_676 = arith.constant 0 : i32
      %dma_start3A_677 = arith.constant 0 : i32
      %dma_start3A_678 = tpu.memref_slice %arg3[%dma_start3A_676, %add3A, %add3A_675, %dma_start3A_677] : memref<2x32x250x40xi32, #tpu.memory_space<hbm>> -> memref<1x1x1x40xi32, #tpu.memory_space<hbm>>
      %dma_start3A_679 = tpu.memref_squeeze %dma_start3A_678 : memref<1x1x1x40xi32, #tpu.memory_space<hbm>> -> memref<40xi32, #tpu.memory_space<hbm>>
      %dma_start3A_680 = arith.constant 0 : i32
      %dma_start3A_681 = tpu.memref_slice %arg3[%dma_start3A_676, %add3A, %add3A_675, %dma_start3A_680] : memref<2x32x250x40xi32, #tpu.memory_space<hbm>> -> memref<1x1x1x40xi32, #tpu.memory_space<hbm>>
      %dma_start3A_682 = tpu.memref_squeeze %dma_start3A_681 : memref<1x1x1x40xi32, #tpu.memory_space<hbm>> -> memref<40xi32, #tpu.memory_space<hbm>>
      tpu.enqueue_dma source(%dma_start3A_682 : memref<40xi32, #tpu.memory_space<hbm>>) target(%arg17 : memref<40xi32, #tpu.memory_space<vmem>>) target_semaphore(%arg35 : memref<!tpu.dma_semaphore, #tpu.memory_space<semaphore_mem>>)
    }
    %scan3A_236 = arith.constant 48 : i32
    %get3A_237 = arith.constant 245 : i32
    %get3A_238 = arith.index_cast %get3A_237 : i32 to index
    %get3A_239 = arith.constant 0 : index
    %get3A_240 = tpu.vector_load %arg18[%get3A_238, %get3A_239] {strides = array<i32>} : memref<250x40xi32, #tpu.memory_space<vmem>>, vector<16xi32>,
    tpu.vector_store_idx %arg19[%get3A_240], %broadcast_in_dim3A_3 {add = true} : memref<10000xf32, #tpu.memory_space<vmem>>[vector<16xi32>], vector<16xf32>,
    %get3A_241 = arith.constant 245 : i32
    %get3A_242 = arith.index_cast %get3A_241 : i32 to index
    %get3A_243 = arith.constant 16 : index
    %get3A_244 = tpu.vector_load %arg18[%get3A_242, %get3A_243] {strides = array<i32>} : memref<250x40xi32, #tpu.memory_space<vmem>>, vector<16xi32>,
    tpu.vector_store_idx %arg19[%get3A_244], %broadcast_in_dim3A_3 {add = true} : memref<10000xf32, #tpu.memory_space<vmem>>[vector<16xi32>], vector<16xf32>,
    %get3A_245 = arith.constant 245 : i32
    %get3A_246 = arith.index_cast %get3A_245 : i32 to index
    %get3A_247 = arith.constant 24 : index
    %get3A_248 = tpu.vector_load %arg18[%get3A_246, %get3A_247] {strides = array<i32>} : memref<250x40xi32, #tpu.memory_space<vmem>>, vector<16xi32>,
    tpu.vector_store_idx %arg19[%get3A_248], %broadcast_in_dim3A_3 masked %ge3A_5 {add = true} : memref<10000xf32, #tpu.memory_space<vmem>>[vector<16xi32>], vector<16xf32>, vector<16xi1>
    %dma_wait3A_249 = arith.constant 243 : i32
    %dma_wait3A_250 = arith.constant 0 : i32
    %dma_wait3A_251 = tpu.memref_slice %arg18[%dma_wait3A_249, %dma_wait3A_250] : memref<250x40xi32, #tpu.memory_space<vmem>> -> memref<1x40xi32, #tpu.memory_space<vmem>>
    %dma_wait3A_252 = tpu.memref_squeeze %dma_wait3A_251 : memref<1x40xi32, #tpu.memory_space<vmem>> -> memref<40xi32, #tpu.memory_space<vmem>>
    %dma_wait3A_253 = arith.constant 0 : i32
    %dma_wait3A_254 = arith.constant 0 : i32
    %dma_wait3A_255 = tpu.memref_slice %arg20[%dma_wait3A_253, %dma_wait3A_254] : memref<10000x128xf32, #tpu.memory_space<vmem_shared>> -> memref<10000x128xf32, #tpu.memory_space<vmem_shared>>
    tpu.wait_indirect_dma semaphore(%arg29 : memref<!tpu.dma_semaphore, #tpu.memory_space<semaphore_mem>>) src(%arg11 : memref<40x128xf32, #tpu.memory_space<vmem>>) dst(%dma_wait3A_255 : memref<10000x128xf32, #tpu.memory_space<vmem_shared>>)
    %dma_wait3A_256 = arith.constant 0 : i32
    %dma_wait3A_257 = arith.constant 0 : i32
    %dma_wait3A_258 = arith.constant 0 : i32
    %dma_wait3A_259 = tpu.memref_slice %arg3[%dma_wait3A_256, %add3A, %dma_wait3A_257, %dma_wait3A_258] : memref<2x32x250x40xi32, #tpu.memory_space<hbm>> -> memref<1x1x1x40xi32, #tpu.memory_space<hbm>>
    %dma_wait3A_260 = tpu.memref_squeeze %dma_wait3A_259 : memref<1x1x1x40xi32, #tpu.memory_space<hbm>> -> memref<40xi32, #tpu.memory_space<hbm>>
    %dma_wait3A_261 = arith.constant 0 : i32
    %dma_wait3A_262 = tpu.memref_slice %arg3[%dma_wait3A_256, %add3A, %dma_wait3A_257, %dma_wait3A_261] : memref<2x32x250x40xi32, #tpu.memory_space<hbm>> -> memref<1x1x1x40xi32, #tpu.memory_space<hbm>>
    %dma_wait3A_263 = tpu.memref_squeeze %dma_wait3A_262 : memref<1x1x1x40xi32, #tpu.memory_space<hbm>> -> memref<40xi32, #tpu.memory_space<hbm>>
    tpu.wait_dma2 semaphore(%arg34 : memref<!tpu.dma_semaphore, #tpu.memory_space<semaphore_mem>>) src(%dma_wait3A_263 : memref<40xi32, #tpu.memory_space<hbm>>) dst(%arg16 : memref<40xi32, #tpu.memory_space<vmem>>)
    %dma_start3A_264 = arith.constant 0 : i32
    %dma_start3A_265 = arith.constant 0 : i32
    %dma_start3A_266 = tpu.memref_slice %arg2[%dma_start3A_264, %dma_start3A_265] : memref<10000x128xf32, #tpu.memory_space<hbm>> -> memref<10000x128xf32, #tpu.memory_space<hbm>>
    tpu.enqueue_indirect_dma source(%dma_start3A_266 : memref<10000x128xf32, #tpu.memory_space<hbm>>) target(%arg11 : memref<40x128xf32, #tpu.memory_space<vmem>>) offsets(%arg16 : memref<40xi32, #tpu.memory_space<vmem>>) semaphore(%arg24 : memref<!tpu.dma_semaphore, #tpu.memory_space<semaphore_mem>>)
    %dma_wait3A_267 = arith.constant 0 : i32
    %dma_wait3A_268 = arith.constant 0 : i32
    %dma_wait3A_269 = tpu.memref_slice %arg2[%dma_wait3A_267, %dma_wait3A_268] : memref<10000x128xf32, #tpu.memory_space<hbm>> -> memref<10000x128xf32, #tpu.memory_space<hbm>>
    tpu.wait_indirect_dma semaphore(%arg21 : memref<!tpu.dma_semaphore, #tpu.memory_space<semaphore_mem>>) src(%dma_wait3A_269 : memref<10000x128xf32, #tpu.memory_space<hbm>>) dst(%arg8 : memref<40x128xf32, #tpu.memory_space<vmem>>)
    %dma_start3A_270 = arith.constant 245 : i32
    %dma_start3A_271 = arith.constant 0 : i32
    %dma_start3A_272 = tpu.memref_slice %arg18[%dma_start3A_270, %dma_start3A_271] : memref<250x40xi32, #tpu.memory_space<vmem>> -> memref<1x40xi32, #tpu.memory_space<vmem>>
    %dma_start3A_273 = tpu.memref_squeeze %dma_start3A_272 : memref<1x40xi32, #tpu.memory_space<vmem>> -> memref<40xi32, #tpu.memory_space<vmem>>
    %dma_start3A_274 = arith.constant 0 : i32
    %dma_start3A_275 = arith.constant 0 : i32
    %dma_start3A_276 = tpu.memref_slice %arg20[%dma_start3A_274, %dma_start3A_275] : memref<10000x128xf32, #tpu.memory_space<vmem_shared>> -> memref<10000x128xf32, #tpu.memory_space<vmem_shared>>
    tpu.enqueue_indirect_dma source(%arg8 : memref<40x128xf32, #tpu.memory_space<vmem>>) target(%dma_start3A_276 : memref<10000x128xf32, #tpu.memory_space<vmem_shared>>) offsets(%dma_start3A_273 : memref<40xi32, #tpu.memory_space<vmem>>) semaphore(%arg26 : memref<!tpu.dma_semaphore, #tpu.memory_space<semaphore_mem>>) {add = true}
    %get3A_277 = arith.constant 246 : i32
    %get3A_278 = arith.index_cast %get3A_277 : i32 to index
    %get3A_279 = arith.constant 0 : index
    %get3A_280 = tpu.vector_load %arg18[%get3A_278, %get3A_279] {strides = array<i32>} : memref<250x40xi32, #tpu.memory_space<vmem>>, vector<16xi32>,
    tpu.vector_store_idx %arg19[%get3A_280], %broadcast_in_dim3A_3 {add = true} : memref<10000xf32, #tpu.memory_space<vmem>>[vector<16xi32>], vector<16xf32>,
    %get3A_281 = arith.constant 246 : i32
    %get3A_282 = arith.index_cast %get3A_281 : i32 to index
    %get3A_283 = arith.constant 16 : index
    %get3A_284 = tpu.vector_load %arg18[%get3A_282, %get3A_283] {strides = array<i32>} : memref<250x40xi32, #tpu.memory_space<vmem>>, vector<16xi32>,
    tpu.vector_store_idx %arg19[%get3A_284], %broadcast_in_dim3A_3 {add = true} : memref<10000xf32, #tpu.memory_space<vmem>>[vector<16xi32>], vector<16xf32>,
    %get3A_285 = arith.constant 246 : i32
    %get3A_286 = arith.index_cast %get3A_285 : i32 to index
    %get3A_287 = arith.constant 24 : index
    %get3A_288 = tpu.vector_load %arg18[%get3A_286, %get3A_287] {strides = array<i32>} : memref<250x40xi32, #tpu.memory_space<vmem>>, vector<16xi32>,
    tpu.vector_store_idx %arg19[%get3A_288], %broadcast_in_dim3A_3 masked %ge3A_5 {add = true} : memref<10000xf32, #tpu.memory_space<vmem>>[vector<16xi32>], vector<16xf32>, vector<16xi1>
    %dma_wait3A_289 = arith.constant 244 : i32
    %dma_wait3A_290 = arith.constant 0 : i32
    %dma_wait3A_291 = tpu.memref_slice %arg18[%dma_wait3A_289, %dma_wait3A_290] : memref<250x40xi32, #tpu.memory_space<vmem>> -> memref<1x40xi32, #tpu.memory_space<vmem>>
    %dma_wait3A_292 = tpu.memref_squeeze %dma_wait3A_291 : memref<1x40xi32, #tpu.memory_space<vmem>> -> memref<40xi32, #tpu.memory_space<vmem>>
    %dma_wait3A_293 = arith.constant 0 : i32
    %dma_wait3A_294 = arith.constant 0 : i32
    %dma_wait3A_295 = tpu.memref_slice %arg20[%dma_wait3A_293, %dma_wait3A_294] : memref<10000x128xf32, #tpu.memory_space<vmem_shared>> -> memref<10000x128xf32, #tpu.memory_space<vmem_shared>>
    tpu.wait_indirect_dma semaphore(%arg30 : memref<!tpu.dma_semaphore, #tpu.memory_space<semaphore_mem>>) src(%arg12 : memref<40x128xf32, #tpu.memory_space<vmem>>) dst(%dma_wait3A_295 : memref<10000x128xf32, #tpu.memory_space<vmem_shared>>)
    %dma_wait3A_296 = arith.constant 0 : i32
    %dma_wait3A_297 = arith.constant 0 : i32
    %dma_wait3A_298 = arith.constant 0 : i32
    %dma_wait3A_299 = tpu.memref_slice %arg3[%dma_wait3A_296, %add3A, %dma_wait3A_297, %dma_wait3A_298] : memref<2x32x250x40xi32, #tpu.memory_space<hbm>> -> memref<1x1x1x40xi32, #tpu.memory_space<hbm>>
    %dma_wait3A_300 = tpu.memref_squeeze %dma_wait3A_299 : memref<1x1x1x40xi32, #tpu.memory_space<hbm>> -> memref<40xi32, #tpu.memory_space<hbm>>
    %dma_wait3A_301 = arith.constant 0 : i32
    %dma_wait3A_302 = tpu.memref_slice %arg3[%dma_wait3A_296, %add3A, %dma_wait3A_297, %dma_wait3A_301] : memref<2x32x250x40xi32, #tpu.memory_space<hbm>> -> memref<1x1x1x40xi32, #tpu.memory_space<hbm>>
    %dma_wait3A_303 = tpu.memref_squeeze %dma_wait3A_302 : memref<1x1x1x40xi32, #tpu.memory_space<hbm>> -> memref<40xi32, #tpu.memory_space<hbm>>
    tpu.wait_dma2 semaphore(%arg35 : memref<!tpu.dma_semaphore, #tpu.memory_space<semaphore_mem>>) src(%dma_wait3A_303 : memref<40xi32, #tpu.memory_space<hbm>>) dst(%arg17 : memref<40xi32, #tpu.memory_space<vmem>>)
    %dma_start3A_304 = arith.constant 0 : i32
    %dma_start3A_305 = arith.constant 0 : i32
    %dma_start3A_306 = tpu.memref_slice %arg2[%dma_start3A_304, %dma_start3A_305] : memref<10000x128xf32, #tpu.memory_space<hbm>> -> memref<10000x128xf32, #tpu.memory_space<hbm>>
    tpu.enqueue_indirect_dma source(%dma_start3A_306 : memref<10000x128xf32, #tpu.memory_space<hbm>>) target(%arg12 : memref<40x128xf32, #tpu.memory_space<vmem>>) offsets(%arg17 : memref<40xi32, #tpu.memory_space<vmem>>) semaphore(%arg25 : memref<!tpu.dma_semaphore, #tpu.memory_space<semaphore_mem>>)
    %dma_wait3A_307 = arith.constant 0 : i32
    %dma_wait3A_308 = arith.constant 0 : i32
    %dma_wait3A_309 = tpu.memref_slice %arg2[%dma_wait3A_307, %dma_wait3A_308] : memref<10000x128xf32, #tpu.memory_space<hbm>> -> memref<10000x128xf32, #tpu.memory_space<hbm>>
    tpu.wait_indirect_dma semaphore(%arg22 : memref<!tpu.dma_semaphore, #tpu.memory_space<semaphore_mem>>) src(%dma_wait3A_309 : memref<10000x128xf32, #tpu.memory_space<hbm>>) dst(%arg9 : memref<40x128xf32, #tpu.memory_space<vmem>>)
    %dma_start3A_310 = arith.constant 246 : i32
    %dma_start3A_311 = arith.constant 0 : i32
    %dma_start3A_312 = tpu.memref_slice %arg18[%dma_start3A_310, %dma_start3A_311] : memref<250x40xi32, #tpu.memory_space<vmem>> -> memref<1x40xi32, #tpu.memory_space<vmem>>
    %dma_start3A_313 = tpu.memref_squeeze %dma_start3A_312 : memref<1x40xi32, #tpu.memory_space<vmem>> -> memref<40xi32, #tpu.memory_space<vmem>>
    %dma_start3A_314 = arith.constant 0 : i32
    %dma_start3A_315 = arith.constant 0 : i32
    %dma_start3A_316 = tpu.memref_slice %arg20[%dma_start3A_314, %dma_start3A_315] : memref<10000x128xf32, #tpu.memory_space<vmem_shared>> -> memref<10000x128xf32, #tpu.memory_space<vmem_shared>>
    tpu.enqueue_indirect_dma source(%arg9 : memref<40x128xf32, #tpu.memory_space<vmem>>) target(%dma_start3A_316 : memref<10000x128xf32, #tpu.memory_space<vmem_shared>>) offsets(%dma_start3A_313 : memref<40xi32, #tpu.memory_space<vmem>>) semaphore(%arg27 : memref<!tpu.dma_semaphore, #tpu.memory_space<semaphore_mem>>) {add = true}
    %get3A_317 = arith.constant 247 : i32
    %get3A_318 = arith.index_cast %get3A_317 : i32 to index
    %get3A_319 = arith.constant 0 : index
    %get3A_320 = tpu.vector_load %arg18[%get3A_318, %get3A_319] {strides = array<i32>} : memref<250x40xi32, #tpu.memory_space<vmem>>, vector<16xi32>,
    tpu.vector_store_idx %arg19[%get3A_320], %broadcast_in_dim3A_3 {add = true} : memref<10000xf32, #tpu.memory_space<vmem>>[vector<16xi32>], vector<16xf32>,
    %get3A_321 = arith.constant 247 : i32
    %get3A_322 = arith.index_cast %get3A_321 : i32 to index
    %get3A_323 = arith.constant 16 : index
    %get3A_324 = tpu.vector_load %arg18[%get3A_322, %get3A_323] {strides = array<i32>} : memref<250x40xi32, #tpu.memory_space<vmem>>, vector<16xi32>,
    tpu.vector_store_idx %arg19[%get3A_324], %broadcast_in_dim3A_3 {add = true} : memref<10000xf32, #tpu.memory_space<vmem>>[vector<16xi32>], vector<16xf32>,
    %get3A_325 = arith.constant 247 : i32
    %get3A_326 = arith.index_cast %get3A_325 : i32 to index
    %get3A_327 = arith.constant 24 : index
    %get3A_328 = tpu.vector_load %arg18[%get3A_326, %get3A_327] {strides = array<i32>} : memref<250x40xi32, #tpu.memory_space<vmem>>, vector<16xi32>,
    tpu.vector_store_idx %arg19[%get3A_328], %broadcast_in_dim3A_3 masked %ge3A_5 {add = true} : memref<10000xf32, #tpu.memory_space<vmem>>[vector<16xi32>], vector<16xf32>, vector<16xi1>
    %dma_wait3A_329 = arith.constant 0 : i32
    %dma_wait3A_330 = arith.constant 0 : i32
    %dma_wait3A_331 = tpu.memref_slice %arg2[%dma_wait3A_329, %dma_wait3A_330] : memref<10000x128xf32, #tpu.memory_space<hbm>> -> memref<10000x128xf32, #tpu.memory_space<hbm>>
    tpu.wait_indirect_dma semaphore(%arg23 : memref<!tpu.dma_semaphore, #tpu.memory_space<semaphore_mem>>) src(%dma_wait3A_331 : memref<10000x128xf32, #tpu.memory_space<hbm>>) dst(%arg10 : memref<40x128xf32, #tpu.memory_space<vmem>>)
    %dma_start3A_332 = arith.constant 247 : i32
    %dma_start3A_333 = arith.constant 0 : i32
    %dma_start3A_334 = tpu.memref_slice %arg18[%dma_start3A_332, %dma_start3A_333] : memref<250x40xi32, #tpu.memory_space<vmem>> -> memref<1x40xi32, #tpu.memory_space<vmem>>
    %dma_start3A_335 = tpu.memref_squeeze %dma_start3A_334 : memref<1x40xi32, #tpu.memory_space<vmem>> -> memref<40xi32, #tpu.memory_space<vmem>>
    %dma_start3A_336 = arith.constant 0 : i32
    %dma_start3A_337 = arith.constant 0 : i32
    %dma_start3A_338 = tpu.memref_slice %arg20[%dma_start3A_336, %dma_start3A_337] : memref<10000x128xf32, #tpu.memory_space<vmem_shared>> -> memref<10000x128xf32, #tpu.memory_space<vmem_shared>>
    tpu.enqueue_indirect_dma source(%arg10 : memref<40x128xf32, #tpu.memory_space<vmem>>) target(%dma_start3A_338 : memref<10000x128xf32, #tpu.memory_space<vmem_shared>>) offsets(%dma_start3A_335 : memref<40xi32, #tpu.memory_space<vmem>>) semaphore(%arg28 : memref<!tpu.dma_semaphore, #tpu.memory_space<semaphore_mem>>) {add = true}
    %get3A_339 = arith.constant 248 : i32
    %get3A_340 = arith.index_cast %get3A_339 : i32 to index
    %get3A_341 = arith.constant 0 : index
    %get3A_342 = tpu.vector_load %arg18[%get3A_340, %get3A_341] {strides = array<i32>} : memref<250x40xi32, #tpu.memory_space<vmem>>, vector<16xi32>,
    tpu.vector_store_idx %arg19[%get3A_342], %broadcast_in_dim3A_3 {add = true} : memref<10000xf32, #tpu.memory_space<vmem>>[vector<16xi32>], vector<16xf32>,
    %get3A_343 = arith.constant 248 : i32
    %get3A_344 = arith.index_cast %get3A_343 : i32 to index
    %get3A_345 = arith.constant 16 : index
    %get3A_346 = tpu.vector_load %arg18[%get3A_344, %get3A_345] {strides = array<i32>} : memref<250x40xi32, #tpu.memory_space<vmem>>, vector<16xi32>,
    tpu.vector_store_idx %arg19[%get3A_346], %broadcast_in_dim3A_3 {add = true} : memref<10000xf32, #tpu.memory_space<vmem>>[vector<16xi32>], vector<16xf32>,
    %get3A_347 = arith.constant 248 : i32
    %get3A_348 = arith.index_cast %get3A_347 : i32 to index
    %get3A_349 = arith.constant 24 : index
    %get3A_350 = tpu.vector_load %arg18[%get3A_348, %get3A_349] {strides = array<i32>} : memref<250x40xi32, #tpu.memory_space<vmem>>, vector<16xi32>,
    tpu.vector_store_idx %arg19[%get3A_350], %broadcast_in_dim3A_3 masked %ge3A_5 {add = true} : memref<10000xf32, #tpu.memory_space<vmem>>[vector<16xi32>], vector<16xf32>, vector<16xi1>
    %dma_wait3A_351 = arith.constant 0 : i32
    %dma_wait3A_352 = arith.constant 0 : i32
    %dma_wait3A_353 = tpu.memref_slice %arg2[%dma_wait3A_351, %dma_wait3A_352] : memref<10000x128xf32, #tpu.memory_space<hbm>> -> memref<10000x128xf32, #tpu.memory_space<hbm>>
    tpu.wait_indirect_dma semaphore(%arg24 : memref<!tpu.dma_semaphore, #tpu.memory_space<semaphore_mem>>) src(%dma_wait3A_353 : memref<10000x128xf32, #tpu.memory_space<hbm>>) dst(%arg11 : memref<40x128xf32, #tpu.memory_space<vmem>>)
    %dma_start3A_354 = arith.constant 248 : i32
    %dma_start3A_355 = arith.constant 0 : i32
    %dma_start3A_356 = tpu.memref_slice %arg18[%dma_start3A_354, %dma_start3A_355] : memref<250x40xi32, #tpu.memory_space<vmem>> -> memref<1x40xi32, #tpu.memory_space<vmem>>
    %dma_start3A_357 = tpu.memref_squeeze %dma_start3A_356 : memref<1x40xi32, #tpu.memory_space<vmem>> -> memref<40xi32, #tpu.memory_space<vmem>>
    %dma_start3A_358 = arith.constant 0 : i32
    %dma_start3A_359 = arith.constant 0 : i32
    %dma_start3A_360 = tpu.memref_slice %arg20[%dma_start3A_358, %dma_start3A_359] : memref<10000x128xf32, #tpu.memory_space<vmem_shared>> -> memref<10000x128xf32, #tpu.memory_space<vmem_shared>>
    tpu.enqueue_indirect_dma source(%arg11 : memref<40x128xf32, #tpu.memory_space<vmem>>) target(%dma_start3A_360 : memref<10000x128xf32, #tpu.memory_space<vmem_shared>>) offsets(%dma_start3A_357 : memref<40xi32, #tpu.memory_space<vmem>>) semaphore(%arg29 : memref<!tpu.dma_semaphore, #tpu.memory_space<semaphore_mem>>) {add = true}
    %get3A_361 = arith.constant 249 : i32
    %get3A_362 = arith.index_cast %get3A_361 : i32 to index
    %get3A_363 = arith.constant 0 : index
    %get3A_364 = tpu.vector_load %arg18[%get3A_362, %get3A_363] {strides = array<i32>} : memref<250x40xi32, #tpu.memory_space<vmem>>, vector<16xi32>,
    tpu.vector_store_idx %arg19[%get3A_364], %broadcast_in_dim3A_3 {add = true} : memref<10000xf32, #tpu.memory_space<vmem>>[vector<16xi32>], vector<16xf32>,
    %get3A_365 = arith.constant 249 : i32
    %get3A_366 = arith.index_cast %get3A_365 : i32 to index
    %get3A_367 = arith.constant 16 : index
    %get3A_368 = tpu.vector_load %arg18[%get3A_366, %get3A_367] {strides = array<i32>} : memref<250x40xi32, #tpu.memory_space<vmem>>, vector<16xi32>,
    tpu.vector_store_idx %arg19[%get3A_368], %broadcast_in_dim3A_3 {add = true} : memref<10000xf32, #tpu.memory_space<vmem>>[vector<16xi32>], vector<16xf32>,
    %get3A_369 = arith.constant 249 : i32
    %get3A_370 = arith.index_cast %get3A_369 : i32 to index
    %get3A_371 = arith.constant 24 : index
    %get3A_372 = tpu.vector_load %arg18[%get3A_370, %get3A_371] {strides = array<i32>} : memref<250x40xi32, #tpu.memory_space<vmem>>, vector<16xi32>,
    tpu.vector_store_idx %arg19[%get3A_372], %broadcast_in_dim3A_3 masked %ge3A_5 {add = true} : memref<10000xf32, #tpu.memory_space<vmem>>[vector<16xi32>], vector<16xf32>, vector<16xi1>
    %dma_wait3A_373 = arith.constant 0 : i32
    %dma_wait3A_374 = arith.constant 0 : i32
    %dma_wait3A_375 = tpu.memref_slice %arg2[%dma_wait3A_373, %dma_wait3A_374] : memref<10000x128xf32, #tpu.memory_space<hbm>> -> memref<10000x128xf32, #tpu.memory_space<hbm>>
    tpu.wait_indirect_dma semaphore(%arg25 : memref<!tpu.dma_semaphore, #tpu.memory_space<semaphore_mem>>) src(%dma_wait3A_375 : memref<10000x128xf32, #tpu.memory_space<hbm>>) dst(%arg12 : memref<40x128xf32, #tpu.memory_space<vmem>>)
    %dma_start3A_376 = arith.constant 249 : i32
    %dma_start3A_377 = arith.constant 0 : i32
    %dma_start3A_378 = tpu.memref_slice %arg18[%dma_start3A_376, %dma_start3A_377] : memref<250x40xi32, #tpu.memory_space<vmem>> -> memref<1x40xi32, #tpu.memory_space<vmem>>
    %dma_start3A_379 = tpu.memref_squeeze %dma_start3A_378 : memref<1x40xi32, #tpu.memory_space<vmem>> -> memref<40xi32, #tpu.memory_space<vmem>>
    %dma_start3A_380 = arith.constant 0 : i32
    %dma_start3A_381 = arith.constant 0 : i32
    %dma_start3A_382 = tpu.memref_slice %arg20[%dma_start3A_380, %dma_start3A_381] : memref<10000x128xf32, #tpu.memory_space<vmem_shared>> -> memref<10000x128xf32, #tpu.memory_space<vmem_shared>>
    tpu.enqueue_indirect_dma source(%arg12 : memref<40x128xf32, #tpu.memory_space<vmem>>) target(%dma_start3A_382 : memref<10000x128xf32, #tpu.memory_space<vmem_shared>>) offsets(%dma_start3A_379 : memref<40xi32, #tpu.memory_space<vmem>>) semaphore(%arg30 : memref<!tpu.dma_semaphore, #tpu.memory_space<semaphore_mem>>) {add = true}
    %dma_wait3A_383 = arith.constant 245 : i32
    %dma_wait3A_384 = arith.constant 0 : i32
    %dma_wait3A_385 = tpu.memref_slice %arg18[%dma_wait3A_383, %dma_wait3A_384] : memref<250x40xi32, #tpu.memory_space<vmem>> -> memref<1x40xi32, #tpu.memory_space<vmem>>
    %dma_wait3A_386 = tpu.memref_squeeze %dma_wait3A_385 : memref<1x40xi32, #tpu.memory_space<vmem>> -> memref<40xi32, #tpu.memory_space<vmem>>
    %dma_wait3A_387 = arith.constant 0 : i32
    %dma_wait3A_388 = arith.constant 0 : i32
    %dma_wait3A_389 = tpu.memref_slice %arg20[%dma_wait3A_387, %dma_wait3A_388] : memref<10000x128xf32, #tpu.memory_space<vmem_shared>> -> memref<10000x128xf32, #tpu.memory_space<vmem_shared>>
    tpu.wait_indirect_dma semaphore(%arg26 : memref<!tpu.dma_semaphore, #tpu.memory_space<semaphore_mem>>) src(%arg8 : memref<40x128xf32, #tpu.memory_space<vmem>>) dst(%dma_wait3A_389 : memref<10000x128xf32, #tpu.memory_space<vmem_shared>>)
    %dma_wait3A_390 = arith.constant 246 : i32
    %dma_wait3A_391 = arith.constant 0 : i32
    %dma_wait3A_392 = tpu.memref_slice %arg18[%dma_wait3A_390, %dma_wait3A_391] : memref<250x40xi32, #tpu.memory_space<vmem>> -> memref<1x40xi32, #tpu.memory_space<vmem>>
    %dma_wait3A_393 = tpu.memref_squeeze %dma_wait3A_392 : memref<1x40xi32, #tpu.memory_space<vmem>> -> memref<40xi32, #tpu.memory_space<vmem>>
    %dma_wait3A_394 = arith.constant 0 : i32
    %dma_wait3A_395 = arith.constant 0 : i32
    %dma_wait3A_396 = tpu.memref_slice %arg20[%dma_wait3A_394, %dma_wait3A_395] : memref<10000x128xf32, #tpu.memory_space<vmem_shared>> -> memref<10000x128xf32, #tpu.memory_space<vmem_shared>>
    tpu.wait_indirect_dma semaphore(%arg27 : memref<!tpu.dma_semaphore, #tpu.memory_space<semaphore_mem>>) src(%arg9 : memref<40x128xf32, #tpu.memory_space<vmem>>) dst(%dma_wait3A_396 : memref<10000x128xf32, #tpu.memory_space<vmem_shared>>)
    %dma_wait3A_397 = arith.constant 247 : i32
    %dma_wait3A_398 = arith.constant 0 : i32
    %dma_wait3A_399 = tpu.memref_slice %arg18[%dma_wait3A_397, %dma_wait3A_398] : memref<250x40xi32, #tpu.memory_space<vmem>> -> memref<1x40xi32, #tpu.memory_space<vmem>>
    %dma_wait3A_400 = tpu.memref_squeeze %dma_wait3A_399 : memref<1x40xi32, #tpu.memory_space<vmem>> -> memref<40xi32, #tpu.memory_space<vmem>>
    %dma_wait3A_401 = arith.constant 0 : i32
    %dma_wait3A_402 = arith.constant 0 : i32
    %dma_wait3A_403 = tpu.memref_slice %arg20[%dma_wait3A_401, %dma_wait3A_402] : memref<10000x128xf32, #tpu.memory_space<vmem_shared>> -> memref<10000x128xf32, #tpu.memory_space<vmem_shared>>
    tpu.wait_indirect_dma semaphore(%arg28 : memref<!tpu.dma_semaphore, #tpu.memory_space<semaphore_mem>>) src(%arg10 : memref<40x128xf32, #tpu.memory_space<vmem>>) dst(%dma_wait3A_403 : memref<10000x128xf32, #tpu.memory_space<vmem_shared>>)
    %dma_wait3A_404 = arith.constant 248 : i32
    %dma_wait3A_405 = arith.constant 0 : i32
    %dma_wait3A_406 = tpu.memref_slice %arg18[%dma_wait3A_404, %dma_wait3A_405] : memref<250x40xi32, #tpu.memory_space<vmem>> -> memref<1x40xi32, #tpu.memory_space<vmem>>
    %dma_wait3A_407 = tpu.memref_squeeze %dma_wait3A_406 : memref<1x40xi32, #tpu.memory_space<vmem>> -> memref<40xi32, #tpu.memory_space<vmem>>
    %dma_wait3A_408 = arith.constant 0 : i32
    %dma_wait3A_409 = arith.constant 0 : i32
    %dma_wait3A_410 = tpu.memref_slice %arg20[%dma_wait3A_408, %dma_wait3A_409] : memref<10000x128xf32, #tpu.memory_space<vmem_shared>> -> memref<10000x128xf32, #tpu.memory_space<vmem_shared>>
    tpu.wait_indirect_dma semaphore(%arg29 : memref<!tpu.dma_semaphore, #tpu.memory_space<semaphore_mem>>) src(%arg11 : memref<40x128xf32, #tpu.memory_space<vmem>>) dst(%dma_wait3A_410 : memref<10000x128xf32, #tpu.memory_space<vmem_shared>>)
    %dma_wait3A_411 = arith.constant 249 : i32
    %dma_wait3A_412 = arith.constant 0 : i32
    %dma_wait3A_413 = tpu.memref_slice %arg18[%dma_wait3A_411, %dma_wait3A_412] : memref<250x40xi32, #tpu.memory_space<vmem>> -> memref<1x40xi32, #tpu.memory_space<vmem>>
    %dma_wait3A_414 = tpu.memref_squeeze %dma_wait3A_413 : memref<1x40xi32, #tpu.memory_space<vmem>> -> memref<40xi32, #tpu.memory_space<vmem>>
    %dma_wait3A_415 = arith.constant 0 : i32
    %dma_wait3A_416 = arith.constant 0 : i32
    %dma_wait3A_417 = tpu.memref_slice %arg20[%dma_wait3A_415, %dma_wait3A_416] : memref<10000x128xf32, #tpu.memory_space<vmem_shared>> -> memref<10000x128xf32, #tpu.memory_space<vmem_shared>>
    tpu.wait_indirect_dma semaphore(%arg30 : memref<!tpu.dma_semaphore, #tpu.memory_space<semaphore_mem>>) src(%arg12 : memref<40x128xf32, #tpu.memory_space<vmem>>) dst(%dma_wait3A_417 : memref<10000x128xf32, #tpu.memory_space<vmem_shared>>)
    "tpu.region"() ({
      %run_scoped3A_423 = tpu.sem_alloc : memref<!tpu.dma_semaphore, #tpu.memory_space<semaphore_mem>>
      %dma_start3A_424 = arith.constant 0 : i32
      %dma_start3A_425 = tpu.memref_slice %arg7[%add3A, %dma_start3A_424] : memref<32x10000xf32, #tpu.memory_space<hbm>> -> memref<1x10000xf32, #tpu.memory_space<hbm>>
      %dma_start3A_426 = tpu.memref_squeeze %dma_start3A_425 : memref<1x10000xf32, #tpu.memory_space<hbm>> -> memref<10000xf32, #tpu.memory_space<hbm>>
      %dma_start3A_427 = arith.constant 0 : i32
      %dma_start3A_428 = tpu.memref_slice %arg7[%add3A, %dma_start3A_427] : memref<32x10000xf32, #tpu.memory_space<hbm>> -> memref<1x10000xf32, #tpu.memory_space<hbm>>
      %dma_start3A_429 = tpu.memref_squeeze %dma_start3A_428 : memref<1x10000xf32, #tpu.memory_space<hbm>> -> memref<10000xf32, #tpu.memory_space<hbm>>
      tpu.enqueue_dma source(%arg19 : memref<10000xf32, #tpu.memory_space<vmem>>) target(%dma_start3A_429 : memref<10000xf32, #tpu.memory_space<hbm>>) target_semaphore(%run_scoped3A_423 : memref<!tpu.dma_semaphore, #tpu.memory_space<semaphore_mem>>)
      %dma_wait3A_430 = arith.constant 0 : i32
      %dma_wait3A_431 = tpu.memref_slice %arg7[%add3A, %dma_wait3A_430] : memref<32x10000xf32, #tpu.memory_space<hbm>> -> memref<1x10000xf32, #tpu.memory_space<hbm>>
      %dma_wait3A_432 = tpu.memref_squeeze %dma_wait3A_431 : memref<1x10000xf32, #tpu.memory_space<hbm>> -> memref<10000xf32, #tpu.memory_space<hbm>>
      %dma_wait3A_433 = arith.constant 0 : i32
      %dma_wait3A_434 = tpu.memref_slice %arg7[%add3A, %dma_wait3A_433] : memref<32x10000xf32, #tpu.memory_space<hbm>> -> memref<1x10000xf32, #tpu.memory_space<hbm>>
      %dma_wait3A_435 = tpu.memref_squeeze %dma_wait3A_434 : memref<1x10000xf32, #tpu.memory_space<hbm>> -> memref<10000xf32, #tpu.memory_space<hbm>>
      tpu.wait_dma2 semaphore(%run_scoped3A_423 : memref<!tpu.dma_semaphore, #tpu.memory_space<semaphore_mem>>) src(%arg19 : memref<10000xf32, #tpu.memory_space<vmem>>) dst(%dma_wait3A_435 : memref<10000xf32, #tpu.memory_space<hbm>>)
      tpu.yield
    }) : () -> ()
    %barrier3A_418 = arith.constant 0 : index
    tpu.barrier barrier_id(%barrier3A_418)
    %mul3A_419 = arith.constant 625 : i32
    %mul3A_420 = arith.muli %arg1, %mul3A_419 : i32
    %mul3A_421 = arith.constant 625 : i32
    %mul3A_422 = arith.muli %arg1, %mul3A_421 : i32
    "tpu.region"() ({
      %run_scoped3A_423 = tpu.sem_alloc : memref<!tpu.dma_semaphore, #tpu.memory_space<semaphore_mem>>
      %dma_start3A_424 = arith.constant 0 : i32
      %dma_start3A_425 = tpu.memref_slice %arg6[%arg0, %mul3A_422, %dma_start3A_424] : memref<2x10000x128xf32, #tpu.memory_space<hbm>> -> memref<1x625x128xf32, #tpu.memory_space<hbm>>
      %dma_start3A_426 = tpu.memref_squeeze %dma_start3A_425 : memref<1x625x128xf32, #tpu.memory_space<hbm>> -> memref<625x128xf32, #tpu.memory_space<hbm>>
      %dma_start3A_427 = arith.constant 0 : i32
      %dma_start3A_428 = tpu.memref_slice %arg20[%mul3A_420, %dma_start3A_427] : memref<10000x128xf32, #tpu.memory_space<vmem_shared>> -> memref<625x128xf32, #tpu.memory_space<vmem_shared>>
      tpu.enqueue_dma source(%dma_start3A_428 : memref<625x128xf32, #tpu.memory_space<vmem_shared>>) target(%dma_start3A_426 : memref<625x128xf32, #tpu.memory_space<hbm>>) target_semaphore(%run_scoped3A_423 : memref<!tpu.dma_semaphore, #tpu.memory_space<semaphore_mem>>)
      %dma_wait3A_429 = arith.constant 0 : i32
      %dma_wait3A_430 = tpu.memref_slice %arg6[%arg0, %mul3A_422, %dma_wait3A_429] : memref<2x10000x128xf32, #tpu.memory_space<hbm>> -> memref<1x625x128xf32, #tpu.memory_space<hbm>>
      %dma_wait3A_431 = tpu.memref_squeeze %dma_wait3A_430 : memref<1x625x128xf32, #tpu.memory_space<hbm>> -> memref<625x128xf32, #tpu.memory_space<hbm>>
      %dma_wait3A_432 = arith.constant 0 : i32
      %dma_wait3A_433 = tpu.memref_slice %arg20[%mul3A_420, %dma_wait3A_432] : memref<10000x128xf32, #tpu.memory_space<vmem_shared>> -> memref<625x128xf32, #tpu.memory_space<vmem_shared>>
      tpu.wait_dma2 semaphore(%run_scoped3A_423 : memref<!tpu.dma_semaphore, #tpu.memory_space<semaphore_mem>>) src(%dma_wait3A_433 : memref<625x128xf32, #tpu.memory_space<vmem_shared>>) dst(%dma_wait3A_431 : memref<625x128xf32, #tpu.memory_space<hbm>>)
      tpu.yield
    }) : () -> ()
    return
  }
}

module attributes {stable_mosaic.version = 14 : i64} {
  func.func @_scale_kernel(%arg0: i32, %arg1: memref<2000x128xf32, #tpu.memory_space<vmem>>, %arg2: memref<1x1xf32, #tpu.memory_space<smem>>, %arg3: memref<2000x128xf32, #tpu.memory_space<vmem>>) attributes {dimension_semantics = [#tpu.dimension_semantics<arbitrary>], iteration_bounds = array<i64: 5>, scalar_prefetch = 0 : i64, scratch_operands = 0 : i64, tpu.core_type = #tpu.core_type<tc>, window_params = [{transform_indices = @transform_0, window_bounds = array<i64: 2000, 128>}, {transform_indices = @transform_1, window_bounds = array<i64: 1, 1>}, {transform_indices = @transform_2, window_bounds = array<i64: 2000, 128>}]} {
    %get3A = arith.constant 0 : index
    %get3A_0 = arith.constant 0 : index
    %get3A_1 = vector.load %arg1[%get3A, %get3A_0] : memref<2000x128xf32, #tpu.memory_space<vmem>>, vector<2000x128xf32>
    %get3A_2 = arith.constant 0 : index
    %get3A_3 = arith.constant 0 : index
    %get3A_4 = memref.load %arg2[%get3A_2, %get3A_3] : memref<1x1xf32, #tpu.memory_space<smem>>
    %sqrt3A = math.sqrt %get3A_4 : f32
    %mul3A = arith.mulf %get3A_1, %get3A_1 : vector<2000x128xf32>
    %reduce_sum3A = arith.constant dense<0.000000e+00> : vector<2000xf32>
    %reduce_sum3A_5 = vector.multi_reduction <add>, %mul3A, %reduce_sum3A [1] : vector<2000x128xf32> to vector<2000xf32>
    %broadcast_in_dim3A = vector.shape_cast %reduce_sum3A_5 : vector<2000xf32> to vector<2000x1xf32>
    %sqrt3A_6 = math.sqrt %broadcast_in_dim3A : vector<2000x1xf32>
    %jit3A = arith.constant 1.000000e-10 : f32
    %max3A = vector.broadcast %jit3A : f32 to vector<2000x1xf32>
    %max3A_7 = arith.maximumf %max3A, %sqrt3A_6 : vector<2000x1xf32>
    %mul3A_8 = vector.broadcast %sqrt3A : f32 to vector<2000x1xf32>
    %mul3A_9 = arith.mulf %mul3A_8, %max3A_7 : vector<2000x1xf32>
    %add3A = arith.constant 1.000000e+00 : f32
    %add3A_10 = vector.broadcast %add3A : f32 to vector<2000x1xf32>
    %add3A_11 = arith.addf %add3A_10, %mul3A_9 : vector<2000x1xf32>
    %sub3A = arith.constant 1.000000e+00 : f32
    %sub3A_12 = vector.broadcast %sub3A : f32 to vector<2000x1xf32>
    %sub3A_13 = arith.subf %sub3A_12, %mul3A_9 : vector<2000x1xf32>
    %div3A = arith.divf %add3A_11, %sub3A_13 : vector<2000x1xf32>
    %log3A = math.log %div3A : vector<2000x1xf32>
    %mul3A_14 = arith.constant 5.000000e-01 : f32
    %mul3A_15 = vector.broadcast %mul3A_14 : f32 to vector<2000x1xf32>
    %mul3A_16 = arith.mulf %mul3A_15, %log3A : vector<2000x1xf32>
    %div3A_17 = arith.constant 2.000000e+00 : f32
    %div3A_18 = arith.divf %div3A_17, %sqrt3A : f32
    %mul3A_19 = vector.broadcast %div3A_18 : f32 to vector<2000x1xf32>
    %mul3A_20 = arith.mulf %mul3A_19, %mul3A_16 : vector<2000x1xf32>
    %div3A_21 = arith.divf %mul3A_20, %max3A_7 : vector<2000x1xf32>
    %mul3A_22 = vector.broadcast %div3A_21 : vector<2000x1xf32> to vector<2000x128xf32>
    %mul3A_23 = arith.mulf %mul3A_22, %get3A_1 : vector<2000x128xf32>
    %swap3A = arith.constant 0 : index
    %swap3A_24 = arith.constant 0 : index
    %swap3A_25 = vector.load %arg3[%swap3A, %swap3A_24] : memref<2000x128xf32, #tpu.memory_space<vmem>>, vector<2000x128xf32>
    tpu.vector_store %arg3[%swap3A, %swap3A_24], %mul3A_23 {strides = array<i32>} : memref<2000x128xf32, #tpu.memory_space<vmem>>, vector<2000x128xf32>,
    return
  }
  func.func @transform_0(%arg0: i32) -> (i32, i32) {
    %c0_i32 = arith.constant 0 : i32
    %c0_i32_0 = arith.constant 0 : i32
    return %arg0, %c0_i32 : i32, i32
  }
  func.func @transform_1(%arg0: i32) -> (i32, i32) {
    %c0_i32 = arith.constant 0 : i32
    %c0_i32_0 = arith.constant 0 : i32
    %c0_i32_1 = arith.constant 0 : i32
    return %c0_i32, %c0_i32_0 : i32, i32
  }
  func.func @transform_2(%arg0: i32) -> (i32, i32) {
    %c0_i32 = arith.constant 0 : i32
    %c0_i32_0 = arith.constant 0 : i32
    return %arg0, %c0_i32 : i32, i32
  }
}

module attributes {stable_mosaic.version = 14 : i64} {
  func.func @_finish_kernel(%arg0: i32, %arg1: memref<2x2000x128xf32, #tpu.memory_space<vmem>>, %arg2: memref<2000x32xf32, #tpu.memory_space<vmem>>, %arg3: memref<128x128xf32, #tpu.memory_space<vmem>>, %arg4: memref<1x1xf32, #tpu.memory_space<smem>>, %arg5: memref<2000x128xf32, #tpu.memory_space<vmem>>) attributes {dimension_semantics = [#tpu.dimension_semantics<arbitrary>], iteration_bounds = array<i64: 5>, scalar_prefetch = 0 : i64, scratch_operands = 0 : i64, tpu.core_type = #tpu.core_type<tc>, window_params = [{transform_indices = @transform_0, window_bounds = array<i64: 2, 2000, 128>}, {transform_indices = @transform_1, window_bounds = array<i64: 2000, 32>}, {pipeline_mode = #tpu.pipeline_mode<synchronous>, transform_indices = @transform_2, window_bounds = array<i64: 128, 128>}, {transform_indices = @transform_3, window_bounds = array<i64: 1, 1>}, {transform_indices = @transform_4, window_bounds = array<i64: 2000, 128>}]} {
    %get3A = arith.constant 0 : index
    %get3A_0 = arith.constant 0 : index
    %get3A_1 = arith.constant 0 : index
    %get3A_2 = vector.load %arg1[%get3A, %get3A_0, %get3A_1] : memref<2x2000x128xf32, #tpu.memory_space<vmem>>, vector<2x2000x128xf32>
    %slice3A = vector.extract_strided_slice %get3A_2 {offsets = [0, 0, 0], sizes = [1, 2000, 128], strides = [1, 1, 1]} : vector<2x2000x128xf32> to vector<1x2000x128xf32>
    %squeeze3A = vector.shape_cast %slice3A : vector<1x2000x128xf32> to vector<2000x128xf32>
    %slice3A_3 = vector.extract_strided_slice %get3A_2 {offsets = [1, 0, 0], sizes = [1, 2000, 128], strides = [1, 1, 1]} : vector<2x2000x128xf32> to vector<1x2000x128xf32>
    %squeeze3A_4 = vector.shape_cast %slice3A_3 : vector<1x2000x128xf32> to vector<2000x128xf32>
    %add3A = arith.addf %squeeze3A, %squeeze3A_4 : vector<2000x128xf32>
    %get3A_5 = arith.constant 0 : index
    %get3A_6 = arith.constant 0 : index
    %get3A_7 = memref.load %arg4[%get3A_5, %get3A_6] : memref<1x1xf32, #tpu.memory_space<smem>>
    %sqrt3A = math.sqrt %get3A_7 : f32
    %get3A_8 = arith.constant 0 : index
    %get3A_9 = arith.constant 0 : index
    %get3A_10 = vector.load %arg2[%get3A_8, %get3A_9] : memref<2000x32xf32, #tpu.memory_space<vmem>>, vector<2000x32xf32>
    %reduce_sum3A = arith.constant dense<0.000000e+00> : vector<2000xf32>
    %reduce_sum3A_11 = vector.multi_reduction <add>, %get3A_10, %reduce_sum3A [1] : vector<2000x32xf32> to vector<2000xf32>
    %broadcast_in_dim3A = vector.shape_cast %reduce_sum3A_11 : vector<2000xf32> to vector<2000x1xf32>
    %jit3A = arith.constant 1.000000e+00 : f32
    %max3A = vector.broadcast %jit3A : f32 to vector<2000x1xf32>
    %max3A_12 = arith.maximumf %max3A, %broadcast_in_dim3A : vector<2000x1xf32>
    %get3A_13 = arith.constant 0 : index
    %get3A_14 = arith.constant 0 : index
    %get3A_15 = vector.load %arg3[%get3A_13, %get3A_14] : memref<128x128xf32, #tpu.memory_space<vmem>>, vector<128x128xf32>
    %dot_general3A = arith.constant dense<0.000000e+00> : vector<2000x128xf32>
    %dot_general3A_16 = tpu.matmul %add3A, %get3A_15, %dot_general3A {dimension_numbers = #tpu.dot_dimension_numbers<[1], [0], [0], [1], [0, 0, 1, 1], [], []>, transpose_lhs_hint = false} : vector<2000x128xf32>, vector<128x128xf32>, vector<2000x128xf32> -> vector<2000x128xf32>
    %div3A = vector.broadcast %max3A_12 : vector<2000x1xf32> to vector<2000x128xf32>
    %div3A_17 = arith.divf %dot_general3A_16, %div3A : vector<2000x128xf32>
    %mul3A = arith.mulf %div3A_17, %div3A_17 : vector<2000x128xf32>
    %reduce_sum3A_18 = arith.constant dense<0.000000e+00> : vector<2000xf32>
    %reduce_sum3A_19 = vector.multi_reduction <add>, %mul3A, %reduce_sum3A_18 [1] : vector<2000x128xf32> to vector<2000xf32>
    %broadcast_in_dim3A_20 = vector.shape_cast %reduce_sum3A_19 : vector<2000xf32> to vector<2000x1xf32>
    %sqrt3A_21 = math.sqrt %broadcast_in_dim3A_20 : vector<2000x1xf32>
    %jit3A_22 = arith.constant 1.000000e-10 : f32
    %max3A_23 = vector.broadcast %jit3A_22 : f32 to vector<2000x1xf32>
    %max3A_24 = arith.maximumf %max3A_23, %sqrt3A_21 : vector<2000x1xf32>
    %mul3A_25 = vector.broadcast %sqrt3A : f32 to vector<2000x1xf32>
    %mul3A_26 = arith.mulf %mul3A_25, %max3A_24 : vector<2000x1xf32>
    %mul3A_27 = arith.constant 5.000000e-01 : f32
    %mul3A_28 = vector.broadcast %mul3A_27 : f32 to vector<2000x1xf32>
    %mul3A_29 = arith.mulf %mul3A_26, %mul3A_28 : vector<2000x1xf32>
    %tanh3A = math.tanh %mul3A_29 : vector<2000x1xf32>
    %mul3A_30 = vector.broadcast %tanh3A : vector<2000x1xf32> to vector<2000x128xf32>
    %mul3A_31 = arith.mulf %mul3A_30, %div3A_17 : vector<2000x128xf32>
    %mul3A_32 = vector.broadcast %sqrt3A : f32 to vector<2000x1xf32>
    %mul3A_33 = arith.mulf %mul3A_32, %max3A_24 : vector<2000x1xf32>
    %div3A_34 = vector.broadcast %mul3A_33 : vector<2000x1xf32> to vector<2000x128xf32>
    %div3A_35 = arith.divf %mul3A_31, %div3A_34 : vector<2000x128xf32>
    %swap3A = arith.constant 0 : index
    %swap3A_36 = arith.constant 0 : index
    %swap3A_37 = vector.load %arg5[%swap3A, %swap3A_36] : memref<2000x128xf32, #tpu.memory_space<vmem>>, vector<2000x128xf32>
    tpu.vector_store %arg5[%swap3A, %swap3A_36], %div3A_35 {strides = array<i32>} : memref<2000x128xf32, #tpu.memory_space<vmem>>, vector<2000x128xf32>,
    return
  }
  func.func @transform_0(%arg0: i32) -> (i32, i32, i32) {
    %c0_i32 = arith.constant 0 : i32
    %c0_i32_0 = arith.constant 0 : i32
    %c0_i32_1 = arith.constant 0 : i32
    return %c0_i32, %arg0, %c0_i32_0 : i32, i32, i32
  }
  func.func @transform_1(%arg0: i32) -> (i32, i32) {
    %c0_i32 = arith.constant 0 : i32
    %c0_i32_0 = arith.constant 0 : i32
    return %arg0, %c0_i32 : i32, i32
  }
  func.func @transform_2(%arg0: i32) -> (i32, i32) {
    %c0_i32 = arith.constant 0 : i32
    %c0_i32_0 = arith.constant 0 : i32
    %c0_i32_1 = arith.constant 0 : i32
    return %c0_i32, %c0_i32_0 : i32, i32
  }
  func.func @transform_3(%arg0: i32) -> (i32, i32) {
    %c0_i32 = arith.constant 0 : i32
    %c0_i32_0 = arith.constant 0 : i32
    %c0_i32_1 = arith.constant 0 : i32
    return %c0_i32, %c0_i32_0 : i32, i32
  }
  func.func @transform_4(%arg0: i32) -> (i32, i32) {
    %c0_i32 = arith.constant 0 : i32
    %c0_i32_0 = arith.constant 0 : i32
    return %arg0, %c0_i32 : i32, i32
  }
}

</mosaic_0001>

<sc_bundles>
// kernel: kernel.5.cloned.1.call-start
scs
__scs_entry_jumppad:
0x0: {  	(pc) =	sbr.rel $0x88, $3  }
0x1: {  	(tag) =	ssettag $0x0;
	lr =	simm.s32 $0x1  }
0x2: {  	[smem:$0x3F9D] =	sst lr;
	_ =	strace $0xD0000000  }
0x3: {  	_ = 	snop  }
0x4: {  	_ = 	snop  }
0x5: {  	_ = 	snop  }
0x6: {  	_ = 	snop  }
0x7: {  	_ = 	snop  }
__scs_overlays_trampoline_lowered:
0x8: {  	[smem:$0x3FAC] =	sst s0  }
0x9: {  	[smem:$0x3FAD] =	sst s1  }
0xa: {  	[smem:$0x3FAE] =	sst s2  }
0xb: {  	[smem:$0x3FAF] =	sst s3  }
0xc: {  	[smem:$0x3FB0] =	sst s4  }
0xd: {  	[smem:$0x3FB1] =	sst s5  }
0xe: {  	[smem:$0x3FB2] =	sst s6  }
0xf: {  	[smem:$0x3FB3] =	sst s7  }
0x10: {  	[smem:$0x3FB4] =	sst s8  }
0x11: {  	[smem:$0x3FB5] =	sst s9;
	s0 =	simm.s32 @!p0 $0x0  }
0x12: {  	s1 =	sld [smem:$0x3F9B];
	s0 =	simm.s32 @p0 $0x1  }
0x13: {  	[smem:$0x3FB6] =	sst s0;
	s0 =	simm.s32 @!p1 $0x0  }
0x14: {  	s2 =	sld [smem:$0x3F9A];
	s0 =	simm.s32 @p1 $0x1  }
0x15: {  	[smem:$0x3FB7] =	sst s0;
	s0 =	simm.s32 @!p2 $0x0  }
0x16: {  	s3 =	sld [smem:$0x3FDB];
	s0 =	simm.s32 @p2 $0x1  }
0x17: {  	s4 =	simm.s32 $0x1BF5;
	[smem:$0x3FB9] =	sst s0  }
0x18: {  	s0 =	sld [smem:$0x3F9C];
	_ =	swait.ge [sflag:s4], $0x0  }
0x19: {  	s7 =	sld [smem:$0x3F9D]  }
0x1a: {  	s8 =	sadd.s32 $0xFFFFE003, lr  }
0x1b: {  	s9 =	sadd.s32 $0xFFFFFEF7, lr;
	s5 =	simm.s32 $0xFFFFFFFF;
	p2 =	slt.u32 s8, $0xFFFFF086  }
0x1c: {  	p1 =	slt.u32 s9, $0xF7A;
	s5 =	simm.s32 @!p2 $0x0  }
0x1d: {  	s5 =	simm.s32 @p1 $0x1;
	p0 =	seq.s32 s7, s2  }
0x1e: {  	s7 =	smul.u32 @!p0 $0xF7A, s2;
	p2 =	seq.s32 @!p0 s5, $0x0  }
0x1f: {  	s9 =	smul.u32 $0xF7A, s1;
	s8 =	simm.s32 @!p0 $0x1BF5;
	p2 =	por !p2, p0  }
0x20: {  	[sflag:s8] =	ssyncset.s32 @!p0 $0xFFFFF086;
	s6 =	sadd.s32 @!p0 s3, s7;
	s7 =	simm.s32 @!p0 $0x108  }
0x21: {  	s3 =	sadd.s32 s3, s9;
	s6 =	sadd.s32 @!p0 $0x88, s6;
	s7 =	simm.s32 @p2 $0x1082  }
0x22: {  	[simem:s7], [sflag:s8] =	dma.local @!p0 [hbm:s6], $0xF7A  }
0x23: {  	s9 =	sor.u32 $0xD0000000, s2;
	s6 =	simm.s32 $0x108;
	_ =	swait.ge @!p0 [sflag:s8], $0x0  }
0x24: {  	s3 =	sadd.s32 $0x88, s3;
	s6 =	simm.s32 @!p1 $0x1082;
	[sflag:s4] =	ssyncset.s32 $0xFFFFF086  }
0x25: {  	[simem:s6], [sflag:s4] =	dma.local [hbm:s3], $0xF7A  }
0x26: {  	[smem:$0x3F9D] =	sst s1;
	(tag) =	ssettag s2;
	_ =	strace s9  }
0x27: {  	s1 =	sld [smem:$0x3FAD]  }
0x28: {  	s2 =	sld [smem:$0x3FAE]  }
0x29: {  	s4 =	sld [smem:$0x3FB0]  }
0x2a: {  	p0 =	seq.s32 s5, $0x0;
	s5 =	sld [smem:$0x3FB1]  }
0x2b: {  	s6 =	sld [smem:$0x3FB2]  }
0x2c: {  	s7 =	sld [smem:$0x3FB3]  }
0x2d: {  	s3 =	simm.s32 $0x108;
	s8 =	sld [smem:$0x3FB4]  }
0x2e: {  	s3 =	simm.s32 @!p0 $0x1082;
	s9 =	sld [smem:$0x3FB5]  }
0x2f: {  	lr =	sadd.s32 s0, s3;
	s0 =	sld [smem:$0x3FAC]  }
0x30: {  	s3 =	sld [smem:$0x3FAF]  }
0x31: {  	[smem:$0x3FB8] =	sst s10  }
0x32: {  	s10 =	sld [smem:$0x3FB6];
	_ =	sdelay $0x3  }
0x33: {  	p0 =	seq.s32 s10, $0x1;
	s10 =	sld [smem:$0x3FB8];
	_ =	sdelay $0x3  }
0x34: {  	[smem:$0x3FB8] =	sst s10  }
0x35: {  	s10 =	sld [smem:$0x3FB7];
	_ =	sdelay $0x3  }
0x36: {  	p1 =	seq.s32 s10, $0x1;
	s10 =	sld [smem:$0x3FB8];
	_ =	sdelay $0x3  }
0x37: {  	[smem:$0x3FB8] =	sst s10  }
0x38: {  	s10 =	sld [smem:$0x3FB9]  }
0x39: {  	_ = 	snop;
	(pc) =	sbr.ind lr, $3  }
0x3a: {  	_ = 	snop  }
0x3b: {  	_ = 	snop  }
0x3c: {  	p2 =	seq.s32 s10, $0x1;
	s10 =	sld [smem:$0x3FB8]  }
0x3d: {  	_ =	shalt  }
0x3e: {  	_ =	shalt  }
0x3f: {  	_ =	shalt  }
0x40: {  	_ =	shalt  }
0x41: {  	_ =	shalt  }
0x42: {  	_ =	shalt  }
0x43: {  	_ =	shalt  }
0x44: {  	_ =	shalt  }
0x45: {  	_ =	shalt  }
0x46: {  	_ =	shalt  }
0x47: {  	_ =	shalt  }
0x48: {  	_ =	shalt  }
0x49: {  	_ =	shalt  }
0x4a: {  	_ =	shalt  }
0x4b: {  	_ =	shalt  }
0x4c: {  	_ =	shalt  }
0x4d: {  	_ =	shalt  }
0x4e: {  	_ =	shalt  }
0x4f: {  	_ =	shalt  }
0x50: {  	_ =	shalt  }
0x51: {  	_ =	shalt  }
0x52: {  	_ =	shalt  }
0x53: {  	_ =	shalt  }
0x54: {  	_ =	shalt  }
0x55: {  	_ =	shalt  }
0x56: {  	_ =	shalt  }
0x57: {  	_ =	shalt  }
0x58: {  	_ =	shalt  }
0x59: {  	_ =	shalt  }
0x5a: {  	_ =	shalt  }
0x5b: {  	_ =	shalt  }
0x5c: {  	_ =	shalt  }
0x5d: {  	_ =	shalt  }
0x5e: {  	_ =	shalt  }
0x5f: {  	_ =	shalt  }
0x60: {  	_ =	shalt  }
0x61: {  	_ =	shalt  }
0x62: {  	_ =	shalt  }
0x63: {  	_ =	shalt  }
0x64: {  	_ =	shalt  }
0x65: {  	_ =	shalt  }
0x66: {  	_ =	shalt  }
0x67: {  	_ =	shalt  }
0x68: {  	_ =	shalt  }
0x69: {  	_ =	shalt  }
0x6a: {  	_ =	shalt  }
0x6b: {  	_ =	shalt  }
0x6c: {  	_ =	shalt  }
0x6d: {  	_ =	shalt  }
0x6e: {  	_ =	shalt  }
0x6f: {  	_ =	shalt  }
0x70: {  	_ =	shalt  }
0x71: {  	_ =	shalt  }
0x72: {  	_ =	shalt  }
0x73: {  	_ =	shalt  }
0x74: {  	_ =	shalt  }
0x75: {  	_ =	shalt  }
0x76: {  	_ =	shalt  }
0x77: {  	_ =	shalt  }
0x78: {  	_ =	shalt  }
0x79: {  	_ =	shalt  }
0x7a: {  	_ =	shalt  }
0x7b: {  	_ =	shalt  }
0x7c: {  	_ =	shalt  }
0x7d: {  	_ =	shalt  }
0x7e: {  	_ =	shalt  }
0x7f: {  	_ =	shalt  }
0x80: {  	_ =	shalt  }
0x81: {  	_ =	shalt  }
0x82: {  	_ =	shalt  }
0x83: {  	_ =	shalt  }
0x84: {  	_ =	shalt  }
0x85: {  	_ =	shalt  }
0x86: {  	_ =	shalt  }
0x87: {  	_ =	shalt  }
.Lfunc_end0:
.L_simem_size_0:
called_computation_lowered:
.L_overlay_start_0:
0x88: {  	s2 =	sld [smem:$0x3FD9]  }
0x89: {  	s3 =	sld [smem:$0x3FFE];
	_ =	sdelay $0x1  }
0x8a: {  	s1 =	srdreg.scid  }
0x8b: {  	s0 =	sand.u32 $0x1, s1  }
0x8c: {  	s17 =	sshll.u32 s0, $0xA;
	s2 =	sadd.s32 s3, s2  }
0x8d: {  	s2 =	sadd.s32 s2, s17  }
0x8e: {  	[smem:$0x3FC4] =	sst s2  }
0x8f: {  	_ = 	snop  }
0x90: {  	s2 =	sld [smem:$0x3FD0];
	(tm) =	ssettm $0x1  }
0x91: {  	s18 =	sld [smem:$0x3FFB];
	_ =	sdelay $0x3  }
0x92: {  	_ =	strace s18  }
0x93: {  	s3 =	sld [smem:$0x3FFC];
	_ =	sdelay $0x3  }
0x94: {  	_ =	strace s3  }
0x95: {  	s3 =	sld [smem:$0x3FFD];
	_ =	sdelay $0x3  }
0x96: {  	_ =	strace s3  }
0x97: {  	_ =	strace $0x8FFFFFFF  }
0x98: {  	s19 =	sld [smem:$0x3FDB];
	_ =	sdelay $0x1  }
0x99: {  	s4 =	simm.s32 $_scs_section_size  }
0x9a: {  	s5 =	simm.s32 $_size__tile_overlayer_lowered;
	s6 =	simm.s32 $_tile_overlayer_lowered  }
0x9b: {  	s22 =	simm.s32 $0x1BFF;
	s21 =	sshll.u32 s6, $0x1;
	s3 =	sadd.s32 s4, s19  }
0x9c: {  	s7 =	simm.s32 $0x0;
	s20 =	sshll.u32 s5, $0x1;
	s5 =	sadd.s32 s21, s3  }
0x9d: {  	[timem:s7], [sflag:s22] =	dma.local [hbm:s5], s20  }
0x9e: {  	_ =	swait.ge [sflag:s22], s20  }
0x9f: {  	s4 =	ssub.s32 $0x0, s20;
	[sflag:s22] =	ssyncset.done $0x0  }
0xa0: {  	[sflag:s22] =	ssyncadd.s32 s4;
	_ =	sdelay $0x1  }
0xa1: {  	s23 =	simm.s32 $0x1B8B  }
0xa2: {  	_ =	swait.ge [sflag:s23], $0x1  }
0xa3: {  	[sflag:s23] =	ssyncset.done $0x0  }
0xa4: {  	s25 =	simm.s32 $0x1B8E;
	s24 =	sld [smem:$0x3FFE];
	[sflag:s23] =	ssyncadd.s32 $0xFFFFFFFF  }
0xa5: {  	s26 =	simm.s32 $execute0_lowered;
	[smem:$0x3FD2] =	sst s25  }
0xa6: {  	s5 =	sshll.u32 s26, $0x1;
	_ =	strace $0x80000046;
	[dreg:$0x1] =	wrdreg $0xFFFFFFFF  }
0xa7: {  	s28 =	simm.s32 $_size_execute0_lowered;
	s3 =	sadd.s32 s3, s5;
	[dreg:$0x0] =	wrdreg $0x0  }
0xa8: {  	s5 =	sshll.u32 s28, $0x1;
	[dreg:$0x2] =	wrdreg s3  }
0xa9: {  	[dreg:$0x3] =	wrdreg s5  }
0xaa: {  	[dreg:$0x4] =	wrdreg $0xC0  }
0xab: {  	_ =	task [dreg:s7], $0x5FFFF  }
0xac: {  	[dreg:$0x1] =	wrdreg $0xFFFFFFFF  }
0xad: {  	[dreg:$0x0] =	wrdreg $0x60  }
0xae: {  	[dreg:$0x2] =	wrdreg s2  }
0xaf: {  	[dreg:$0x3] =	wrdreg s24  }
0xb0: {  	[dreg:$0x4] =	wrdreg $0xB2E80  }
0xb1: {  	[dreg:$0x5] =	wrdreg $0x9  }
0xb2: {  	_ =	task.clear_ibuf [dreg:s7], $0x6FFFF;
	_ =	strace $0x90000046  }
0xb3: {  	s29 =	simm.s32 $0x9;
	_ =	strace $0x80000048  }
0xb4: {  	_ =	swait.ge [sflag:s29], $0x1  }
0xb5: {  	[sflag:s29] =	ssyncadd.s32 $0xFFFFFFFF  }
0xb6: {  	_ =	strace $0x90000048  }
0xb7: {  	_ =	sfence  }
0xb8: {  	s30 =	sld [smem:$0x0];
	_ =	sdelay $0x2  }
0xb9: {  	s31 =	sshll.u32 s1, $0xD;
	s1 =	sshrl.u32 s1, $0x2  }
0xba: {  	s3 =	sand.u32 $0x4000, s31;
	s1 =	sadd.s32 s1, s30  }
0xbb: {  	s0 =	sor.u32 s3, s0;
	s1 =	sshll.u32 s1, $0x11  }
0xbc: {  	s0 =	sor.u32 s1, s0  }
0xbd: {  	s0 =	sadd.s32 $0x8F2B, s0  }
0xbe: {  	[sflag:s0] =	ssyncadd.remote.s32 $0x1  }
0xbf: {  	_ =	sfence.sel $0xFFFF  }
0xc0: {  	[dreg:$0x0] =	wrdreg $0xFFFFFFFF;
	(pc) =	sbr.abs _section_cstart, $3  }
0xc1: {  	[dreg:$0x1] =	wrdreg $0xFFFFFFFF  }
0xc2: {  	_ =	task.clear_ibuf [dreg:s7], $0x2FFFF;
	_ =	strace $0x9FFFFFFF  }
0xc3: {  	(tm) =	ssettm $0x7FFFFFFF  }
tec
execute0_lowered:
.L_overlay_start_1:
0x0: {  	(tag) =	ssettag $0x1  }
0x1: {  	s1 =	rddreg [dreg:$0x0]  }
0x2: {  	s0 =	rddreg [dreg:$0x1]  }
0x3: {  	s3 =	rddreg [dreg:$0x2]  }
0x4: {  	s2 =	srdreg.scid;
	s12 =	stileid.u32;
	s4 =	simm.s32 $0x0  }
0x5: {  	s31 =	simm.s32 $0x8BD8;
	s30 =	simm.s32 $0x8;
	s28 =	simm.s32 $0xA  }
0x6: {  	s2 =	sand.u32 $0x1, s2;
	s5 =	smul.u32 $0x13880, s12;
	[smem:$0x7FF] =	sst s4  }
0x7: {  	s8 =	sadd.s32 $0x1200, s0;
	s9 =	sadd.s32 $0x15200, s0;
	s17 =	sadd.s32 $0x14C00, s0  }
0x8: {  	s20 =	sshll.u32 s12, $0x6;
	s24 =	smul.u32 $0x2710, s12;
	s6 =	sshll.u32 s2, $0x4  }
0x9: {  	s7 =	smul.u32 $0x138800, s2;
	_ =	strace $0x80000047;
	[dreg:$0x4] =	wrdreg s9  }
0xa: {  	[dreg:$0x5] =	wrdreg s17;
	s10 =	ssub.s32 $0x2, s2;
	s29 =	sor.u32 $0x1C10, s20  }
0xb: {  	s2 =	smul.u32 $0x27100, s2;
	s6 =	sor.u32 s12, s6;
	s11 =	sshrl.u32 s10, $0x1  }
0xc: {  	[dreg:$0x8] =	wrdreg s29;
	s6 =	smul.u32 $0x2710, s6;
	s7 =	sadd.s32 s5, s7  }
0xd: {  	s10 =	ssub.s32 s10, s11;
	s5 =	sadd.s32 s5, s3;
	s2 =	sadd.s32 s24, s2  }
0xe: {  	s7 =	sshrl.u32 s7, $0x3;
	[dreg:$0x6] =	wrdreg s5;
	s15 =	sadd.s32 $0x230, s2  }
0xf: {  	s16 =	sadd.s32 $0x208, s2;
	s20 =	sadd.s32 $0x1B8, s2;
	s24 =	smax.u32 s10, $0x1  }
0x10: {  	s10 =	simm.s32 $0x28;
	s18 =	sshrl.u32 s6, $0x3;
	s7 =	sadd.s32 s7, s0  }
0x11: {  	s19 =	sadd.s32 $0x28, s6;
	s22 =	sadd.s32 $0x78, s6;
	s23 =	sadd.s32 $0xC8, s6  }
0x12: {  	s26 =	sadd.s32 $0x118, s6;
	s14 =	sadd.s32 $0x168, s6;
	s6 =	sshrl.u32 s15, $0x3  }
0x13: {  	[dreg:$0x18] =	wrdreg s24;
	s24 =	simm.s32 $0xB;
	s15 =	simm.s32 $0xC  }
0x14: {  	s0 =	sadd.s32 s18, s0;
	s13 =	sadd.s32 s8, s18;
	s5 =	sshrl.u32 s19, $0x3  }
0x15: {  	s25 =	sshrl.u32 s23, $0x3;
	s12 =	sshrl.u32 s26, $0x3;
	s17 =	sadd.s32 s6, s8  }
0x16: {  	s18 =	sshrl.u32 s16, $0x3;
	s23 =	sadd.s32 $0x21800, s7;
	[dreg:$0x10] =	wrdreg s17  }
0x17: {  	s19 =	sadd.s32 $0x1E0, s2;
	s6 =	sshrl.u32 s20, $0x3;
	[dreg:$0x17] =	wrdreg s23  }
0x18: {  	s2 =	sadd.s32 $0x190, s2;
	s9 =	sadd.s32 $0x9C40, s13;
	[dreg:$0x7] =	wrdreg s13  }
0x19: {  	s7 =	simm.s32 $0x6428;
	s5 =	sadd.s32 s8, s5;
	[dreg:$0x9] =	wrdreg s9  }
0x1a: {  	s20 =	simm.s32 $0x64A0;
	s21 =	sadd.s32 $0xA, s13;
	[dreg:$0xa] =	wrdreg s5  }
0x1b: {  	s2 =	sshrl.u32 s2, $0x3;
	s0 =	sadd.s32 $0x17A00, s0;
	[dreg:$0xb] =	wrdreg s21  }
0x1c: {  	s26 =	sadd.s32 $0x28, s13;
	s23 =	simm.s32 $0x4;
	[dreg:$0x16] =	wrdreg s0  }
0x1d: {  	s17 =	simm.s32 $0xD;
	s21 =	sadd.s32 s6, s8;
	[dreg:$0x1a] =	wrdreg s26  }
0x1e: {  	s5 =	sshrl.u32 s22, $0x3;
	s2 =	sadd.s32 s2, s8;
	[dreg:$0x13] =	wrdreg s21  }
0x1f: {  	s22 =	sadd.s32 $0x14, s13;
	s6 =	simm.s32 $0x6400;
	[dreg:$0x14] =	wrdreg s2  }
0x20: {  	s9 =	simm.s32 $0x6450;
	s5 =	sadd.s32 s8, s5;
	[dreg:$0x15] =	wrdreg s22  }
0x21: {  	s26 =	simm.s32 $0xC;
	[dreg:$0xc] =	wrdreg s5;
	s5 =	sadd.s32 s8, s25  }
0x22: {  	s2 =	simm.s32 $0x10;
	[dreg:$0xd] =	wrdreg s5;
	s5 =	sadd.s32 s8, s12  }
0x23: {  	s25 =	sadd.s32 $0x1E, s13;
	[dreg:$0xe] =	wrdreg s5;
	s5 =	sshrl.u32 s14, $0x3  }
0x24: {  	s22 =	simm.s32 $0x7;
	[dreg:$0x19] =	wrdreg s25;
	s5 =	sadd.s32 s8, s5  }
0x25: {  	s21 =	simm.s32 $0x5;
	[dreg:$0xf] =	wrdreg s5;
	s5 =	sadd.s32 s18, s8  }
0x26: {  	s25 =	simm.s32 $0x9;
	[dreg:$0x11] =	wrdreg s5;
	s5 =	sshrl.u32 s19, $0x3  }
0x27: {  	s18 =	simm.s32 $0xE;
	s19 =	simm.s32 $0x5000;
	s5 =	sadd.s32 s5, s8  }
0x28: {  	v0 =	vimm.f32 $1.000000000e+00;
	vm0 =	vcmask $0x3F20;
	s8 =	simm.s32 $0xF;
	[dreg:$0x12] =	wrdreg s5;
	s5 =	simm.s32 $0x0  }
.LBB2_1:
0x29: {  	[dreg:$0x1b] =	wrdreg s5  }
0x2a: {  	s0 =	rddreg [dreg:$0x6]  }
0x2b: {  	s12 =	rddreg [dreg:$0x4];
	s11 =	sshrl.u32 s0, $0x3  }
0x2c: {  	[dreg:$0x1c] =	wrdreg s11  }
0x2d: {  	[spmem:s11], [sflag:s29] =	dma.local [hbm:s12], $0x2710  }
0x2e: {  	_ =	swait.ge [sflag:s2], $0x2710  }
0x2f: {  	[sflag:s2] =	ssyncset.done $0x0  }
0x30: {  	s5 =	simm.s32 $0x64C8;
	s13 =	rddreg [dreg:$0x9];
	[sflag:s2] =	ssyncadd.s32 $0xFFFFD8F0  }
0x31: {  	[tilespmem:s5], [sflag:$0x10] =	stream.linear.gather [hbm4b:s13+s4], $0x2710, $0x38;
	[tilespmem:$0x1EB68] =	vst v63  }
0x32: {  	_ =	swait.ge [sflag:s2], $0x2710  }
0x33: {  	[sflag:s2] =	ssyncset.done $0x0  }
0x34: {  	s14 =	rddreg [dreg:$0x5];
	[sflag:s2] =	ssyncadd.s32 $0xFFFFD8F0  }
0x35: {  	[tilespmem:s31], [sflag:$0x10] =	stream.linear.gather [hbm4b:s14+s4], $0x2710, $0x38;
	[tilespmem:$0x1EB68] =	vst v63  }
0x36: {  	_ =	swait.ge [sflag:s2], $0x2710  }
0x37: {  	[sflag:s2] =	ssyncset.done $0x0  }
0x38: {  	[sflag:s2] =	ssyncadd.s32 $0xFFFFD8F0  }
0x39: {  	[bflag:$0x0] =	sbarrier.arrive $0xFFFF  }
0x3a: {  	s16 =	rddreg [dreg:$0x7]  }
0x3b: {  	[tilespmem:s6], [sflag:$0x10] =	stream.linear.gather [hbm4b:s16+s4], $0x28, $0x38;
	[tilespmem:$0x1EB68] =	vst v63  }
0x3c: {  	_ =	swait.ge [sflag:s2], $0x28  }
0x3d: {  	[sflag:s2] =	ssyncset.done $0x0  }
0x3e: {  	s11 =	rddreg [dreg:$0xa];
	[sflag:s2] =	ssyncadd.s32 $0xFFFFFFD8  }
0x3f: {  	[tilespmem:s7], [sflag:$0x10] =	stream.linear.gather [hbm4b:s11+s4], $0x28, $0x38;
	[tilespmem:$0x1EB68] =	vst v63  }
0x40: {  	_ =	swait.ge [sflag:s2], $0x28  }
0x41: {  	[sflag:s2] =	ssyncset.done $0x0  }
0x42: {  	s12 =	rddreg [dreg:$0xb];
	[sflag:s2] =	ssyncadd.s32 $0xFFFFFFD8  }
0x43: {  	[tilespmem:s9], [sflag:$0x10] =	stream.linear.gather [hbm4b:s12+s4], $0x28, $0x38;
	[tilespmem:$0x1EB68] =	vst v63  }
0x44: {  	_ =	swait.ge [sflag:s2], $0x28  }
0x45: {  	[sflag:s2] =	ssyncset.done $0x0  }
0x46: {  	s11 =	simm.s32 $0x6478;
	s13 =	rddreg [dreg:$0xc];
	[sflag:s2] =	ssyncadd.s32 $0xFFFFFFD8  }
0x47: {  	[tilespmem:s11], [sflag:$0x10] =	stream.linear.gather [hbm4b:s13+s4], $0x28, $0x38;
	[tilespmem:$0x1EB68] =	vst v63  }
0x48: {  	_ =	swait.ge [sflag:s2], $0x28  }
0x49: {  	[sflag:s2] =	ssyncset.done $0x0  }
0x4a: {  	s12 =	simm.s32 $0x64A0;
	s14 =	rddreg [dreg:$0x15];
	[sflag:s2] =	ssyncadd.s32 $0xFFFFFFD8  }
0x4b: {  	[tilespmem:s12], [sflag:$0x10] =	stream.linear.gather [hbm4b:s14+s4], $0x28, $0x38;
	[tilespmem:$0x1EB68] =	vst v63  }
0x4c: {  	_ =	swait.ge [sflag:s2], $0x28  }
0x4d: {  	[sflag:s2] =	ssyncset.done $0x0  }
0x4e: {  	[sflag:s2] =	ssyncadd.s32 $0xFFFFFFD8  }
0x4f: {  	[tilespmem:s4], [sflag:$0x1] =	stream.indirect.gather [hbm4b:s1+s10], $0x80, s6, s10, $0xb8;
	[tilespmem:$0x1EB68] =	vst v63  }
0x50: {  	s2 =	simm.s32 $0x1400  }
0x51: {  	[tilespmem:s2], [sflag:$0x2] =	stream.indirect.gather [hbm4b:s1+s10], $0x80, s7, s10, $0xb8;
	[tilespmem:$0x1EB68] =	vst v63  }
0x52: {  	s13 =	simm.s32 $0x2800  }
0x53: {  	[tilespmem:s13], [sflag:$0x3] =	stream.indirect.gather [hbm4b:s1+s10], $0x80, s9, s10, $0xb8;
	[tilespmem:$0x1EB68] =	vst v63  }
0x54: {  	v1 =	vld [tilespmem:$0x64C8];
	_ =	sdelay $0x7  }
0x55: {  	[tilespmem:v1+s31+$0x0] =	vst.idx.add.f32.msk $0xffff, v0  }
0x56: {  	v1 =	vld [tilespmem:$0x64D8];
	_ =	sdelay $0x7  }
0x57: {  	[tilespmem:v1+s31+$0x0] =	vst.idx.add.f32.msk $0xffff, v0  }
0x58: {  	v1 =	vld [tilespmem:$0x64E0];
	_ =	sdelay $0x7  }
0x59: {  	s16 =	simm.s32 $0x1;
	s14 =	simm.s32 $0x3C00;
	[tilespmem:v1+s31+$0x0] =	vst.idx.add.f32.msk vm0, v0  }
0x5a: {  	[tilespmem:s14], [sflag:$0x4] =	stream.indirect.gather [hbm4b:s1+s10], $0x80, s11, s10, $0xb8;
	[tilespmem:$0x1EB68] =	vst v63  }
0x5b: {  	_ =	swait.ge [sflag:s16], $0x1400  }
0x5c: {  	[sflag:s16] =	ssyncset.done $0x0  }
0x5d: {  	[sflag:s16] =	ssyncadd.s32 $0xFFFFEC00  }
0x5e: {  	[spmem:s3] =	stream.indirect.scatter.add.f32 [tilespmem:s4], [sflag:$0x6], $0x80, s5, s10, $0xb8;
	[tilespmem:$0x1EB68] =	vst v63  }
0x5f: {  	s5 =	rddreg [dreg:$0xd]  }
0x60: {  	[tilespmem:s6], [sflag:$0xB] =	stream.linear.gather [hbm4b:s5+s4], $0x28, $0x38;
	[tilespmem:$0x1EB68] =	vst v63  }
0x61: {  	v1 =	vld [tilespmem:$0x64F0];
	_ =	sdelay $0x7  }
0x62: {  	[tilespmem:v1+s31+$0x0] =	vst.idx.add.f32.msk $0xffff, v0  }
0x63: {  	v1 =	vld [tilespmem:$0x6500];
	_ =	sdelay $0x7  }
0x64: {  	[tilespmem:v1+s31+$0x0] =	vst.idx.add.f32.msk $0xffff, v0  }
0x65: {  	v1 =	vld [tilespmem:$0x6508];
	_ =	sdelay $0x7  }
0x66: {  	s16 =	simm.s32 $0x2;
	s5 =	simm.s32 $0x5000;
	[tilespmem:v1+s31+$0x0] =	vst.idx.add.f32.msk vm0, v0  }
0x67: {  	[tilespmem:s5], [sflag:$0x5] =	stream.indirect.gather [hbm4b:s1+s10], $0x80, s12, s10, $0xb8;
	[tilespmem:$0x1EB68] =	vst v63  }
0x68: {  	_ =	swait.ge [sflag:s16], $0x1400  }
0x69: {  	[sflag:s16] =	ssyncset.done $0x0  }
0x6a: {  	[sflag:s16] =	ssyncadd.s32 $0xFFFFEC00;
	s16 =	simm.s32 $0x64F0  }
0x6b: {  	[spmem:s3] =	stream.indirect.scatter.add.f32 [tilespmem:s2], [sflag:$0x7], $0x80, s16, s10, $0xb8;
	[tilespmem:$0x1EB68] =	vst v63  }
0x6c: {  	s16 =	rddreg [dreg:$0x19]  }
0x6d: {  	[tilespmem:s7], [sflag:$0xC] =	stream.linear.gather [hbm4b:s16+s4], $0x28, $0x38;
	[tilespmem:$0x1EB68] =	vst v63  }
0x6e: {  	v1 =	vld [tilespmem:$0x6518];
	_ =	sdelay $0x7  }
0x6f: {  	[tilespmem:v1+s31+$0x0] =	vst.idx.add.f32.msk $0xffff, v0  }
0x70: {  	v1 =	vld [tilespmem:$0x6528];
	_ =	sdelay $0x7  }
0x71: {  	[tilespmem:v1+s31+$0x0] =	vst.idx.add.f32.msk $0xffff, v0  }
0x72: {  	v1 =	vld [tilespmem:$0x6530];
	_ =	sdelay $0x7  }
0x73: {  	s16 =	simm.s32 $0x6;
	[tilespmem:v1+s31+$0x0] =	vst.idx.add.f32.msk vm0, v0  }
0x74: {  	_ =	swait.ge [sflag:s16], $0x1400  }
0x75: {  	[sflag:s16] =	ssyncset.done $0x0  }
0x76: {  	[sflag:s16] =	ssyncadd.s32 $0xFFFFEC00  }
0x77: {  	_ =	swait.ge [sflag:s24], $0x28  }
0x78: {  	[sflag:s24] =	ssyncset.done $0x0  }
0x79: {  	[sflag:s24] =	ssyncadd.s32 $0xFFFFFFD8  }
0x7a: {  	[tilespmem:s4], [sflag:$0x1] =	stream.indirect.gather [hbm4b:s1+s10], $0x80, s6, s10, $0xb8;
	[tilespmem:$0x1EB68] =	vst v63  }
0x7b: {  	s6 =	simm.s32 $0x3  }
0x7c: {  	_ =	swait.ge [sflag:s6], $0x1400  }
0x7d: {  	[sflag:s6] =	ssyncset.done $0x0  }
0x7e: {  	s16 =	simm.s32 $0x6518;
	[sflag:s6] =	ssyncadd.s32 $0xFFFFEC00  }
0x7f: {  	[spmem:s3] =	stream.indirect.scatter.add.f32 [tilespmem:s13], [sflag:$0x8], $0x80, s16, s10, $0xb8;
	[tilespmem:$0x1EB68] =	vst v63  }
0x80: {  	s6 =	rddreg [dreg:$0xe]  }
0x81: {  	[tilespmem:s9], [sflag:$0xD] =	stream.linear.gather [hbm4b:s6+s4], $0x28, $0x38;
	[tilespmem:$0x1EB68] =	vst v63  }
0x82: {  	v1 =	vld [tilespmem:$0x6540];
	_ =	sdelay $0x7  }
0x83: {  	[tilespmem:v1+s31+$0x0] =	vst.idx.add.f32.msk $0xffff, v0  }
0x84: {  	v1 =	vld [tilespmem:$0x6550];
	_ =	sdelay $0x7  }
0x85: {  	[tilespmem:v1+s31+$0x0] =	vst.idx.add.f32.msk $0xffff, v0  }
0x86: {  	v1 =	vld [tilespmem:$0x6558];
	_ =	sdelay $0x7  }
0x87: {  	[tilespmem:v1+s31+$0x0] =	vst.idx.add.f32.msk vm0, v0  }
0x88: {  	_ =	swait.ge [sflag:s22], $0x1400  }
0x89: {  	[sflag:s22] =	ssyncset.done $0x0  }
0x8a: {  	[sflag:s22] =	ssyncadd.s32 $0xFFFFEC00  }
0x8b: {  	_ =	swait.ge [sflag:s15], $0x28  }
0x8c: {  	[sflag:s15] =	ssyncset.done $0x0  }
0x8d: {  	[sflag:s15] =	ssyncadd.s32 $0xFFFFFFD8  }
0x8e: {  	[tilespmem:s2], [sflag:$0x2] =	stream.indirect.gather [hbm4b:s1+s10], $0x80, s7, s10, $0xb8;
	[tilespmem:$0x1EB68] =	vst v63  }
0x8f: {  	_ =	swait.ge [sflag:s23], $0x1400  }
0x90: {  	[sflag:s23] =	ssyncset.done $0x0  }
0x91: {  	s7 =	simm.s32 $0x6540;
	[sflag:s23] =	ssyncadd.s32 $0xFFFFEC00  }
0x92: {  	[spmem:s3] =	stream.indirect.scatter.add.f32 [tilespmem:s14], [sflag:$0x9], $0x80, s7, s10, $0xb8;
	[tilespmem:$0x1EB68] =	vst v63  }
0x93: {  	s15 =	rddreg [dreg:$0x1a]  }
0x94: {  	[tilespmem:s11], [sflag:$0xE] =	stream.linear.gather [hbm4b:s15+s4], $0x28, $0x38;
	[tilespmem:$0x1EB68] =	vst v63  }
0x95: {  	v1 =	vld [tilespmem:$0x6568];
	_ =	sdelay $0x7  }
0x96: {  	[tilespmem:v1+s31+$0x0] =	vst.idx.add.f32.msk $0xffff, v0  }
0x97: {  	v1 =	vld [tilespmem:$0x6578];
	_ =	sdelay $0x7  }
0x98: {  	[tilespmem:v1+s31+$0x0] =	vst.idx.add.f32.msk $0xffff, v0  }
0x99: {  	v1 =	vld [tilespmem:$0x6580];
	_ =	sdelay $0x7  }
0x9a: {  	[tilespmem:v1+s31+$0x0] =	vst.idx.add.f32.msk vm0, v0  }
0x9b: {  	_ =	swait.ge [sflag:s30], $0x1400  }
0x9c: {  	[sflag:s30] =	ssyncset.done $0x0  }
0x9d: {  	[sflag:s30] =	ssyncadd.s32 $0xFFFFEC00  }
0x9e: {  	_ =	swait.ge [sflag:s17], $0x28  }
0x9f: {  	[sflag:s17] =	ssyncset.done $0x0  }
0xa0: {  	[sflag:s17] =	ssyncadd.s32 $0xFFFFFFD8  }
0xa1: {  	[tilespmem:s13], [sflag:$0x3] =	stream.indirect.gather [hbm4b:s1+s10], $0x80, s9, s10, $0xb8;
	[tilespmem:$0x1EB68] =	vst v63  }
0xa2: {  	_ =	swait.ge [sflag:s21], $0x1400  }
0xa3: {  	s17 =	rddreg [dreg:$0xf]  }
0xa4: {  	s9 =	rddreg [dreg:$0x14]  }
0xa5: {  	[sflag:s21] =	ssyncset.done $0x0;
	s29 =	rddreg [dreg:$0x13]  }
0xa6: {  	s16 =	simm.s32 $0x6568;
	s0 =	rddreg [dreg:$0x12];
	[sflag:s21] =	ssyncadd.s32 $0xFFFFEC00  }
0xa7: {  	[spmem:s3] =	stream.indirect.scatter.add.f32 [tilespmem:s5], [sflag:$0xA], $0x80, s16, s10, $0xb8;
	[tilespmem:$0x1EB68] =	vst v63  }
0xa8: {  	s6 =	simm.s32 $0x0;
	s15 =	simm.s32 $0x6450;
	s2 =	rddreg [dreg:$0x11]  }
0xa9: {  	[tilespmem:s12], [sflag:$0xF] =	stream.linear.gather [hbm4b:s17+s4], $0x28, $0x38;
	[tilespmem:$0x1EB68] =	vst v63  }
0xaa: {  	s13 =	simm.s32 $0x6428;
	s5 =	rddreg [dreg:$0x10];
	s12 =	simm.s32 $0x6400  }
.LBB2_2:
0xab: {  	s7 =	sshra.s32 s6, $0x2  }
0xac: {  	v1 =	vld [tilespmem:s7+$0x6590];
	_ =	sdelay $0x7  }
0xad: {  	[tilespmem:v1+s31+$0x0] =	vst.idx.add.f32.msk $0xffff, v0  }
0xae: {  	v1 =	vld [tilespmem:s7+$0x65A0];
	_ =	sdelay $0x7  }
0xaf: {  	[tilespmem:v1+s31+$0x0] =	vst.idx.add.f32.msk $0xffff, v0  }
0xb0: {  	v1 =	vld [tilespmem:s7+$0x65A8];
	_ =	sdelay $0x7  }
0xb1: {  	[tilespmem:v1+s31+$0x0] =	vst.idx.add.f32.msk vm0, v0  }
0xb2: {  	_ =	swait.ge [sflag:s25], $0x1400  }
0xb3: {  	[sflag:s25] =	ssyncset.done $0x0  }
0xb4: {  	[sflag:s25] =	ssyncadd.s32 $0xFFFFEC00  }
0xb5: {  	_ =	swait.ge [sflag:s18], $0x28  }
0xb6: {  	s17 =	simm.s32 $0x3C00;
	[sflag:s18] =	ssyncset.done $0x0  }
0xb7: {  	s14 =	simm.s32 $0x1;
	[sflag:s18] =	ssyncadd.s32 $0xFFFFFFD8;
	s18 =	simm.s32 $0x6478  }
0xb8: {  	[tilespmem:s17], [sflag:$0x4] =	stream.indirect.gather [hbm4b:s1+s10], $0x80, s18, s10, $0xb8;
	[tilespmem:$0x1EB68] =	vst v63  }
0xb9: {  	_ =	swait.ge [sflag:s14], $0x1400  }
0xba: {  	[sflag:s14] =	ssyncset.done $0x0  }
0xbb: {  	s11 =	sadd.s32 $0x6590, s7;
	[sflag:s14] =	ssyncadd.s32 $0xFFFFEC00  }
0xbc: {  	[spmem:s3] =	stream.indirect.scatter.add.f32 [tilespmem:s4], [sflag:$0x6], $0x80, s11, s10, $0xb8;
	[tilespmem:$0x1EB68] =	vst v63  }
0xbd: {  	_ = 	snop  }
0xbe: {  	[tilespmem:s12], [sflag:$0xB] =	stream.linear.gather [hbm4b:s9+s4], $0x28, $0x38;
	[tilespmem:$0x1EB68] =	vst v63  }
0xbf: {  	v1 =	vld [tilespmem:s7+$0x65B8];
	_ =	sdelay $0x7  }
0xc0: {  	[tilespmem:v1+s31+$0x0] =	vst.idx.add.f32.msk $0xffff, v0  }
0xc1: {  	v1 =	vld [tilespmem:s7+$0x65C8];
	_ =	sdelay $0x7  }
0xc2: {  	[tilespmem:v1+s31+$0x0] =	vst.idx.add.f32.msk $0xffff, v0  }
0xc3: {  	v1 =	vld [tilespmem:s7+$0x65D0];
	_ =	sdelay $0x7  }
0xc4: {  	[tilespmem:v1+s31+$0x0] =	vst.idx.add.f32.msk vm0, v0  }
0xc5: {  	_ =	swait.ge [sflag:s28], $0x1400  }
0xc6: {  	[sflag:s28] =	ssyncset.done $0x0  }
0xc7: {  	[sflag:s28] =	ssyncadd.s32 $0xFFFFEC00  }
0xc8: {  	_ =	swait.ge [sflag:s8], $0x28  }
0xc9: {  	[sflag:s8] =	ssyncset.done $0x0  }
0xca: {  	s16 =	simm.s32 $0x2;
	[sflag:s8] =	ssyncadd.s32 $0xFFFFFFD8  }
0xcb: {  	[tilespmem:s19], [sflag:$0x5] =	stream.indirect.gather [hbm4b:s1+s10], $0x80, s20, s10, $0xb8;
	[tilespmem:$0x1EB68] =	vst v63  }
0xcc: {  	_ =	swait.ge [sflag:s16], $0x1400  }
0xcd: {  	[sflag:s16] =	ssyncset.done $0x0  }
0xce: {  	s11 =	sadd.s32 $0x65B8, s7;
	[sflag:s16] =	ssyncadd.s32 $0xFFFFEC00;
	s16 =	simm.s32 $0x1400  }
0xcf: {  	[spmem:s3] =	stream.indirect.scatter.add.f32 [tilespmem:s16], [sflag:$0x7], $0x80, s11, s10, $0xb8;
	[tilespmem:$0x1EB68] =	vst v63  }
0xd0: {  	_ = 	snop  }
0xd1: {  	[tilespmem:s13], [sflag:$0xC] =	stream.linear.gather [hbm4b:s29+s4], $0x28, $0x38;
	[tilespmem:$0x1EB68] =	vst v63  }
0xd2: {  	v1 =	vld [tilespmem:s7+$0x65E0];
	_ =	sdelay $0x7  }
0xd3: {  	[tilespmem:v1+s31+$0x0] =	vst.idx.add.f32.msk $0xffff, v0  }
0xd4: {  	v1 =	vld [tilespmem:s7+$0x65F0];
	_ =	sdelay $0x7  }
0xd5: {  	[tilespmem:v1+s31+$0x0] =	vst.idx.add.f32.msk $0xffff, v0  }
0xd6: {  	v1 =	vld [tilespmem:s7+$0x65F8];
	_ =	sdelay $0x7  }
0xd7: {  	s14 =	simm.s32 $0x6;
	[tilespmem:v1+s31+$0x0] =	vst.idx.add.f32.msk vm0, v0  }
0xd8: {  	_ =	swait.ge [sflag:s14], $0x1400  }
0xd9: {  	[sflag:s14] =	ssyncset.done $0x0  }
0xda: {  	[sflag:s14] =	ssyncadd.s32 $0xFFFFEC00  }
0xdb: {  	_ =	swait.ge [sflag:s24], $0x28  }
0xdc: {  	[sflag:s24] =	ssyncset.done $0x0  }
0xdd: {  	[sflag:s24] =	ssyncadd.s32 $0xFFFFFFD8;
	s24 =	simm.s32 $0x3  }
0xde: {  	[tilespmem:s4], [sflag:$0x1] =	stream.indirect.gather [hbm4b:s1+s10], $0x80, s12, s10, $0xb8;
	[tilespmem:$0x1EB68] =	vst v63  }
0xdf: {  	_ =	swait.ge [sflag:s24], $0x1400  }
0xe0: {  	[sflag:s24] =	ssyncset.done $0x0  }
0xe1: {  	s11 =	sadd.s32 $0x65E0, s7;
	[sflag:s24] =	ssyncadd.s32 $0xFFFFEC00;
	s24 =	simm.s32 $0x2800  }
0xe2: {  	[spmem:s3] =	stream.indirect.scatter.add.f32 [tilespmem:s24], [sflag:$0x8], $0x80, s11, s10, $0xb8;
	[tilespmem:$0x1EB68] =	vst v63  }
0xe3: {  	_ = 	snop  }
0xe4: {  	[tilespmem:s15], [sflag:$0xD] =	stream.linear.gather [hbm4b:s0+s4], $0x28, $0x38;
	[tilespmem:$0x1EB68] =	vst v63  }
0xe5: {  	v1 =	vld [tilespmem:s7+$0x6608];
	_ =	sdelay $0x7  }
0xe6: {  	[tilespmem:v1+s31+$0x0] =	vst.idx.add.f32.msk $0xffff, v0  }
0xe7: {  	v1 =	vld [tilespmem:s7+$0x6618];
	_ =	sdelay $0x7  }
0xe8: {  	[tilespmem:v1+s31+$0x0] =	vst.idx.add.f32.msk $0xffff, v0  }
0xe9: {  	v1 =	vld [tilespmem:s7+$0x6620];
	_ =	sdelay $0x7  }
0xea: {  	[tilespmem:v1+s31+$0x0] =	vst.idx.add.f32.msk vm0, v0  }
0xeb: {  	_ =	swait.ge [sflag:s22], $0x1400  }
0xec: {  	[sflag:s22] =	ssyncset.done $0x0  }
0xed: {  	[sflag:s22] =	ssyncadd.s32 $0xFFFFEC00  }
0xee: {  	_ =	swait.ge [sflag:s26], $0x28  }
0xef: {  	[sflag:s26] =	ssyncset.done $0x0  }
0xf0: {  	[sflag:s26] =	ssyncadd.s32 $0xFFFFFFD8  }
0xf1: {  	[tilespmem:s16], [sflag:$0x2] =	stream.indirect.gather [hbm4b:s1+s10], $0x80, s13, s10, $0xb8;
	[tilespmem:$0x1EB68] =	vst v63  }
0xf2: {  	_ =	swait.ge [sflag:s23], $0x1400  }
0xf3: {  	[sflag:s23] =	ssyncset.done $0x0  }
0xf4: {  	s16 =	sadd.s32 $0x6608, s7;
	[sflag:s23] =	ssyncadd.s32 $0xFFFFEC00  }
0xf5: {  	[spmem:s3] =	stream.indirect.scatter.add.f32 [tilespmem:s17], [sflag:$0x9], $0x80, s16, s10, $0xb8;
	[tilespmem:$0x1EB68] =	vst v63  }
0xf6: {  	_ = 	snop  }
0xf7: {  	[tilespmem:s18], [sflag:$0xE] =	stream.linear.gather [hbm4b:s2+s4], $0x28, $0x38;
	[tilespmem:$0x1EB68] =	vst v63  }
0xf8: {  	v1 =	vld [tilespmem:s7+$0x6630];
	_ =	sdelay $0x7  }
0xf9: {  	[tilespmem:v1+s31+$0x0] =	vst.idx.add.f32.msk $0xffff, v0  }
0xfa: {  	v1 =	vld [tilespmem:s7+$0x6640];
	_ =	sdelay $0x7  }
0xfb: {  	[tilespmem:v1+s31+$0x0] =	vst.idx.add.f32.msk $0xffff, v0  }
0xfc: {  	v1 =	vld [tilespmem:s7+$0x6648];
	_ =	sdelay $0x7  }
0xfd: {  	[tilespmem:v1+s31+$0x0] =	vst.idx.add.f32.msk vm0, v0  }
0xfe: {  	_ =	swait.ge [sflag:s30], $0x1400  }
0xff: {  	[sflag:s30] =	ssyncset.done $0x0  }
0x100: {  	s17 =	simm.s32 $0xD;
	[sflag:s30] =	ssyncadd.s32 $0xFFFFEC00  }
0x101: {  	_ =	swait.ge [sflag:s17], $0x28  }
0x102: {  	p0 =	sne.s32 s6, $0x92E0;
	[sflag:s17] =	ssyncset.done $0x0  }
0x103: {  	s6 =	sadd.s32 $0x320, s6;
	s9 =	sadd.s32 $0x19, s9;
	[sflag:s17] =	ssyncadd.s32 $0xFFFFFFD8  }
0x104: {  	[tilespmem:s24], [sflag:$0x3] =	stream.indirect.gather [hbm4b:s1+s10], $0x80, s15, s10, $0xb8;
	[tilespmem:$0x1EB68] =	vst v63  }
0x105: {  	s29 =	sadd.s32 $0x19, s29;
	s14 =	simm.s32 $0x1400;
	_ =	swait.ge [sflag:s21], $0x1400  }
0x106: {  	s11 =	simm.s32 $0x6478;
	s0 =	sadd.s32 $0x19, s0;
	[sflag:s21] =	ssyncset.done $0x0  }
.Ltmp0:
0x107: {  	s7 =	sadd.s32 $0x6630, s7;
	[sflag:s21] =	ssyncadd.s32 $0xFFFFEC00;
	(pc) =	sbr.rel @p0 .LBB2_2-.Ltmp0, $4  }
0x108: {  	[spmem:s3] =	stream.indirect.scatter.add.f32 [tilespmem:s19], [sflag:$0xA], $0x80, s7, s10, $0xb8;
	[tilespmem:$0x1EB68] =	vst v63  }
0x109: {  	s16 =	simm.s32 $0x2800;
	s18 =	simm.s32 $0xE;
	s2 =	sadd.s32 $0x19, s2  }
0x10a: {  	[tilespmem:s20], [sflag:$0xF] =	stream.linear.gather [hbm4b:s5+s4], $0x28, $0x38;
	[tilespmem:$0x1EB68] =	vst v63  }
0x10b: {  	s24 =	simm.s32 $0xB;
	s7 =	simm.s32 $0x64A0;
	s5 =	sadd.s32 $0x19, s5  }
0x10c: {  	v1 =	vld [tilespmem:$0x8B10];
	_ =	sdelay $0x7  }
0x10d: {  	[tilespmem:v1+s31+$0x0] =	vst.idx.add.f32.msk $0xffff, v0  }
0x10e: {  	v1 =	vld [tilespmem:$0x8B20];
	_ =	sdelay $0x7  }
0x10f: {  	[tilespmem:v1+s31+$0x0] =	vst.idx.add.f32.msk $0xffff, v0  }
0x110: {  	v1 =	vld [tilespmem:$0x8B28];
	_ =	sdelay $0x7  }
0x111: {  	[tilespmem:v1+s31+$0x0] =	vst.idx.add.f32.msk vm0, v0  }
0x112: {  	_ =	swait.ge [sflag:s25], $0x1400  }
0x113: {  	[sflag:s25] =	ssyncset.done $0x0  }
0x114: {  	[sflag:s25] =	ssyncadd.s32 $0xFFFFEC00  }
0x115: {  	_ =	swait.ge [sflag:s18], $0x28  }
0x116: {  	[sflag:s18] =	ssyncset.done $0x0  }
0x117: {  	s0 =	simm.s32 $0x3C00;
	s2 =	simm.s32 $0x1;
	[sflag:s18] =	ssyncadd.s32 $0xFFFFFFD8  }
0x118: {  	[tilespmem:s0], [sflag:$0x4] =	stream.indirect.gather [hbm4b:s1+s10], $0x80, s11, s10, $0xb8;
	[tilespmem:$0x1EB68] =	vst v63  }
0x119: {  	_ =	swait.ge [sflag:s2], $0x1400  }
0x11a: {  	[sflag:s2] =	ssyncset.done $0x0  }
0x11b: {  	s11 =	simm.s32 $0x8B10;
	[sflag:s2] =	ssyncadd.s32 $0xFFFFEC00  }
0x11c: {  	[spmem:s3] =	stream.indirect.scatter.add.f32 [tilespmem:s4], [sflag:$0x6], $0x80, s11, s10, $0xb8;
	[tilespmem:$0x1EB68] =	vst v63  }
0x11d: {  	v1 =	vld [tilespmem:$0x8B38];
	_ =	sdelay $0x7  }
0x11e: {  	[tilespmem:v1+s31+$0x0] =	vst.idx.add.f32.msk $0xffff, v0  }
0x11f: {  	v1 =	vld [tilespmem:$0x8B48];
	_ =	sdelay $0x7  }
0x120: {  	[tilespmem:v1+s31+$0x0] =	vst.idx.add.f32.msk $0xffff, v0  }
0x121: {  	v1 =	vld [tilespmem:$0x8B50];
	_ =	sdelay $0x7  }
0x122: {  	[tilespmem:v1+s31+$0x0] =	vst.idx.add.f32.msk vm0, v0  }
0x123: {  	_ =	swait.ge [sflag:s28], $0x1400  }
0x124: {  	[sflag:s28] =	ssyncset.done $0x0  }
0x125: {  	[sflag:s28] =	ssyncadd.s32 $0xFFFFEC00  }
0x126: {  	_ =	swait.ge [sflag:s8], $0x28  }
0x127: {  	[sflag:s8] =	ssyncset.done $0x0  }
0x128: {  	s12 =	simm.s32 $0x5000;
	s5 =	simm.s32 $0x2;
	[sflag:s8] =	ssyncadd.s32 $0xFFFFFFD8  }
0x129: {  	[tilespmem:s12], [sflag:$0x5] =	stream.indirect.gather [hbm4b:s1+s10], $0x80, s7, s10, $0xb8;
	[tilespmem:$0x1EB68] =	vst v63  }
0x12a: {  	_ =	swait.ge [sflag:s5], $0x1400  }
0x12b: {  	[sflag:s5] =	ssyncset.done $0x0  }
0x12c: {  	s13 =	simm.s32 $0x8B38;
	[sflag:s5] =	ssyncadd.s32 $0xFFFFEC00  }
0x12d: {  	[spmem:s3] =	stream.indirect.scatter.add.f32 [tilespmem:s14], [sflag:$0x7], $0x80, s13, s10, $0xb8;
	[tilespmem:$0x1EB68] =	vst v63  }
0x12e: {  	v1 =	vld [tilespmem:$0x8B60];
	_ =	sdelay $0x7  }
0x12f: {  	[tilespmem:v1+s31+$0x0] =	vst.idx.add.f32.msk $0xffff, v0  }
0x130: {  	v1 =	vld [tilespmem:$0x8B70];
	_ =	sdelay $0x7  }
0x131: {  	[tilespmem:v1+s31+$0x0] =	vst.idx.add.f32.msk $0xffff, v0  }
0x132: {  	v1 =	vld [tilespmem:$0x8B78];
	_ =	sdelay $0x7  }
0x133: {  	s15 =	simm.s32 $0x3;
	[tilespmem:v1+s31+$0x0] =	vst.idx.add.f32.msk vm0, v0  }
0x134: {  	_ =	swait.ge [sflag:s15], $0x1400  }
0x135: {  	[sflag:s15] =	ssyncset.done $0x0  }
0x136: {  	s6 =	simm.s32 $0x8B60;
	[sflag:s15] =	ssyncadd.s32 $0xFFFFEC00  }
0x137: {  	[spmem:s3] =	stream.indirect.scatter.add.f32 [tilespmem:s16], [sflag:$0x8], $0x80, s6, s10, $0xb8;
	[tilespmem:$0x1EB68] =	vst v63  }
0x138: {  	v1 =	vld [tilespmem:$0x8B88];
	_ =	sdelay $0x7  }
0x139: {  	[tilespmem:v1+s31+$0x0] =	vst.idx.add.f32.msk $0xffff, v0  }
0x13a: {  	v1 =	vld [tilespmem:$0x8B98];
	_ =	sdelay $0x7  }
0x13b: {  	[tilespmem:v1+s31+$0x0] =	vst.idx.add.f32.msk $0xffff, v0  }
0x13c: {  	v1 =	vld [tilespmem:$0x8BA0];
	_ =	sdelay $0x7  }
0x13d: {  	[tilespmem:v1+s31+$0x0] =	vst.idx.add.f32.msk vm0, v0  }
0x13e: {  	_ =	swait.ge [sflag:s23], $0x1400  }
0x13f: {  	[sflag:s23] =	ssyncset.done $0x0  }
0x140: {  	s7 =	simm.s32 $0x8B88;
	[sflag:s23] =	ssyncadd.s32 $0xFFFFEC00  }
0x141: {  	[spmem:s3] =	stream.indirect.scatter.add.f32 [tilespmem:s0], [sflag:$0x9], $0x80, s7, s10, $0xb8;
	[tilespmem:$0x1EB68] =	vst v63  }
0x142: {  	v1 =	vld [tilespmem:$0x8BB0];
	_ =	sdelay $0x7  }
0x143: {  	[tilespmem:v1+s31+$0x0] =	vst.idx.add.f32.msk $0xffff, v0  }
0x144: {  	v1 =	vld [tilespmem:$0x8BC0];
	_ =	sdelay $0x7  }
0x145: {  	[tilespmem:v1+s31+$0x0] =	vst.idx.add.f32.msk $0xffff, v0  }
0x146: {  	v1 =	vld [tilespmem:$0x8BC8];
	_ =	sdelay $0x7  }
0x147: {  	[tilespmem:v1+s31+$0x0] =	vst.idx.add.f32.msk vm0, v0  }
0x148: {  	_ =	swait.ge [sflag:s21], $0x1400  }
0x149: {  	[sflag:s21] =	ssyncset.done $0x0  }
0x14a: {  	s9 =	simm.s32 $0x8BB0;
	s11 =	simm.s32 $0x6;
	[sflag:s21] =	ssyncadd.s32 $0xFFFFEC00  }
0x14b: {  	[spmem:s3] =	stream.indirect.scatter.add.f32 [tilespmem:s12], [sflag:$0xA], $0x80, s9, s10, $0xb8;
	[tilespmem:$0x1EB68] =	vst v63  }
0x14c: {  	_ =	swait.ge [sflag:s11], $0x1400  }
0x14d: {  	[sflag:s11] =	ssyncset.done $0x0  }
0x14e: {  	[sflag:s11] =	ssyncadd.s32 $0xFFFFEC00  }
0x14f: {  	_ =	swait.ge [sflag:s22], $0x1400  }
0x150: {  	[sflag:s22] =	ssyncset.done $0x0  }
0x151: {  	[sflag:s22] =	ssyncadd.s32 $0xFFFFEC00  }
0x152: {  	_ =	swait.ge [sflag:s30], $0x1400  }
0x153: {  	[sflag:s30] =	ssyncset.done $0x0  }
0x154: {  	[sflag:s30] =	ssyncadd.s32 $0xFFFFEC00  }
0x155: {  	_ =	swait.ge [sflag:s25], $0x1400  }
0x156: {  	[sflag:s25] =	ssyncset.done $0x0  }
0x157: {  	[sflag:s25] =	ssyncadd.s32 $0xFFFFEC00  }
0x158: {  	_ =	swait.ge [sflag:s28], $0x1400  }
0x159: {  	[sflag:s28] =	ssyncset.done $0x0  }
0x15a: {  	s2 =	simm.s32 $0x10;
	s12 =	rddreg [dreg:$0x16];
	[sflag:s28] =	ssyncadd.s32 $0xFFFFEC00  }
0x15b: {  	[hbm4b:s12+s4] =	stream.linear.scatter [tilespmem:s31], [sflag:$0x10], $0x2710, $0x38;
	[tilespmem:$0x1EB68] =	vst v63  }
0x15c: {  	_ =	swait.ge [sflag:s2], $0x2710  }
0x15d: {  	[sflag:s2] =	ssyncset.done $0x0  }
0x15e: {  	[sflag:s2] =	ssyncadd.s32 $0xFFFFD8F0  }
0x15f: {  	[bflag:$0x0] =	sbarrier.arrive $0xFFFF  }
0x160: {  	s29 =	rddreg [dreg:$0x8]  }
0x161: {  	s13 =	rddreg [dreg:$0x17]  }
0x162: {  	s14 =	rddreg [dreg:$0x1c]  }
0x163: {  	[hbm:s13], [sflag:s29] =	dma.local [spmem:s14], $0x2710  }
0x164: {  	_ =	swait.ge [sflag:s2], $0x2710  }
0x165: {  	s15 =	rddreg [dreg:$0x1b]  }
0x166: {  	s16 =	rddreg [dreg:$0x18];
	s5 =	sadd.s32 $0x1, s15  }
0x167: {  	p0 =	sne.s32 s5, s16  }
.Ltmp1:
0x168: {  	_ = 	snop;
	(pc) =	sbr.rel @p0 .LBB2_1-.Ltmp1, $3  }
0x169: {  	_ =	sdelay $0x1  }
0x16a: {  	s6 =	simm.s32 $0x6400;
	s7 =	simm.s32 $0x6428;
	[sflag:s2] =	ssyncset.done $0x0  }
0x16b: {  	s9 =	simm.s32 $0x6450;
	[sflag:s2] =	ssyncadd.s32 $0xFFFFD8F0;
	s15 =	simm.s32 $0xC  }
0x16c: {  	_ =	sfence.sel $0x180000  }
0x16d: {  	[bflag:$0x0] =	sbarrier.arrive $0xFFFF  }
0x16e: {  	_ =	strace $0x90000047  }
0x16f: {  	s0 =	stileid.u32;
	[bflag:$0x2] =	sbarrier.arrive $0xFFFF  }
0x170: {  	p0 =	sne.s32 s0, $0x0;
	s0 =	rddreg [dreg:$0x3]  }
0x171: {  	s0 =	sadd.s32 @!p0 $0x100000, s0  }
0x172: {  	[sflag:s0] =	ssyncadd.tile.s32 @!p0 $0x1;
	_ =	shalt  }
.Lfunc_end2:
_tile_overlayer_lowered:
.L_overlay_start_2:
0x173: {  	(tag) =	ssettag $0x2  }
0x174: {  	s0 =	rddreg [dreg:$0x0];
	s2 =	stileid.u32  }
0x175: {  	s1 =	rddreg [dreg:$0x1];
	p0 =	sne.s32 s2, $0x0  }
0x176: {  	s3 =	rddreg [dreg:$0x2];
	[bflag:$0x3] =	sbarrier.arrive $0xFFFF;
	s2 =	simm.s32 @!p0 $0x1C10  }
0x177: {  	[timem:s3], [sflag:s2] =	dma.local @!p0 [hbm:s0], s1  }
0x178: {  	s0 =	simm.s32 @!p0 $0x10  }
0x179: {  	_ =	swait.ge @!p0 [sflag:s0], s1  }
0x17a: {  	s1 =	ssub.s32 @!p0 $0x0, s1;
	[sflag:s0] =	ssyncset.done @!p0 $0x0  }
0x17b: {  	[sflag:s0] =	ssyncadd.s32 @!p0 s1  }
0x17c: {  	[bflag:$0x3] =	sbarrier.arrive $0xFFFF  }
0x17d: {  	_ =	shalt  }

</sc_bundles>
